<compile_context>
chip_gen: v7x
topology: tpu7x:2x2x1
jax: 0.10.2.dev20260603
libtpu: 0.0.44.dev20260713+nightly
codegen_flags: <defaults>
</compile_context>

<pallas_src>
import functools

import jax
import jax.numpy as jnp
from jax import lax
from jax.experimental import pallas as pl
from jax.experimental.pallas import tpu as pltpu
from jax.experimental.pallas import tpu_sc as plsc

N = 10000
E = 320000
D = 128
DH = D // 2

NC = 2
NS = 16
NW = NC * NS
EPT = E // NS
CH = 80
NCHUNK = EPT // CH
ZR = 80
NZCH = N // ZR
EPW = E // NW

_mesh = plsc.VectorSubcoreMesh(
    core_axis_name="c", subcore_axis_name="s", num_cores=NC, num_subcores=NS
)


@functools.partial(
    pl.kernel,
    out_type=jax.ShapeDtypeStruct((NW, N), jnp.float32),
    mesh=_mesh,
    scratch_types=[
        pltpu.VMEM((EPW,), jnp.int32),
        pltpu.VMEM((N,), jnp.float32),
    ],
    compiler_params=pltpu.CompilerParams(needs_layout_passes=False),
)
def _degree_kernel(dst_hbm, hist_hbm, dstv, hist):
    c = lax.axis_index("c")
    s = lax.axis_index("s")
    wid = c * NS + s
    pltpu.sync_copy(dst_hbm.at[wid], dstv)

    zeros16 = jnp.zeros((16,), jnp.float32)
    ones16 = jnp.ones((16,), jnp.float32)

    def zero_body(i, carry):
        hist[pl.ds(i * 16, 16)] = zeros16
        return carry

    lax.fori_loop(0, N // 16, zero_body, None)

    def edge_body(i, carry):
        idx = dstv[pl.ds(i * 16, 16)]
        plsc.addupdate_scatter(hist, [idx], ones16)
        return carry

    lax.fori_loop(0, EPW // 16, edge_body, None)
    pltpu.sync_copy(hist, hist_hbm.at[wid])


@functools.partial(
    pl.kernel,
    out_type=jax.ShapeDtypeStruct((NC, N, DH), jnp.float32),
    mesh=_mesh,
    scratch_types=[
        pltpu.VMEM((NCHUNK, CH), jnp.int32),
        pltpu.VMEM((NCHUNK, CH), jnp.int32),
        pltpu.VMEM((CH, DH), jnp.float32),
        pltpu.VMEM((ZR, DH), jnp.float32),
        pltpu.VMEM_SHARED((N, DH), jnp.float32),
        pltpu.SemaphoreType.DMA,
    ],
    compiler_params=pltpu.CompilerParams(
        needs_layout_passes=False, use_tc_tiling_on_sc=False
    ),
)
def _scatter_kernel(hs_hbm, src_hbm, dst_hbm, out_hbm, srcm, dstm, rows, zbuf,
                    accum, sem):
    c = lax.axis_index("c")
    s = lax.axis_index("s")

    pltpu.sync_copy(src_hbm.at[s], srcm)
    pltpu.sync_copy(dst_hbm.at[s], dstm)

    zeros16 = jnp.zeros((16,), jnp.float32)

    def zrow(i, carry):
        def zcol(j, inner):
            zbuf[i, pl.ds(j * 16, 16)] = zeros16
            return inner

        return lax.fori_loop(0, DH // 16, zcol, carry)

    lax.fori_loop(0, ZR, zrow, None)

    def zchunk(j, carry):
        chunk = s * 8 + j

        @pl.when(chunk < NZCH)
        def _():
            pltpu.sync_copy(zbuf, accum.at[pl.ds(chunk * ZR, ZR)])

        return carry

    lax.fori_loop(0, 8, zchunk, None)
    plsc.subcore_barrier()

    def edge_chunk(k, carry):
        pltpu.async_copy(hs_hbm.at[c].at[srcm.at[k]], rows, sem).wait()
        pltpu.sync_copy(rows, accum.at[dstm.at[k]], add=True)
        return carry

    lax.fori_loop(0, NCHUNK, edge_chunk, None)
    plsc.subcore_barrier()

    def fchunk(j, carry):
        chunk = s * 8 + j

        @pl.when(chunk < NZCH)
        def _():
            pltpu.sync_copy(accum.at[pl.ds(chunk * ZR, ZR)],
                            out_hbm.at[c, pl.ds(chunk * ZR, ZR)])

        return carry

    lax.fori_loop(0, 8, fchunk, None)


RB = 2000
GRID = N // RB


def _mm1_body(x_ref, w_ref, hist_ref, hs_ref, dinv_ref):
    deg = jnp.sum(hist_ref[...], axis=1) + 1.0
    dinv = lax.rsqrt(deg)
    h = jnp.dot(x_ref[...], w_ref[...], preferred_element_type=jnp.float32)
    hs = h * dinv[:, None]
    hs_ref[0] = hs[:, :DH]
    hs_ref[1] = hs[:, DH:]
    dinv_ref[...] = dinv[:, None]


def _mid_body(part_ref, hs1_ref, dinv_ref, b1_ref, w2_ref, hs2_ref):
    hs1 = jnp.concatenate([part_ref[0] + hs1_ref[0], part_ref[1] + hs1_ref[1]],
                          axis=1)
    dinv = dinv_ref[...]
    t = dinv * hs1 + b1_ref[...]
    t = jnp.maximum(t, 0.0)
    h2 = jnp.dot(t, w2_ref[...], preferred_element_type=jnp.float32)
    hs2 = h2 * dinv
    hs2_ref[0] = hs2[:, :DH]
    hs2_ref[1] = hs2[:, DH:]


def _out_body(part_ref, hs2_ref, dinv_ref, b2_ref, o_ref):
    agg = jnp.concatenate([part_ref[0] + hs2_ref[0], part_ref[1] + hs2_ref[1]],
                          axis=1)
    o_ref[...] = dinv_ref[...] * agg + b2_ref[...]


def _mm1(x, w1, hist):
    return pl.pallas_call(
        _mm1_body,
        grid=(GRID,),
        in_specs=[
            pl.BlockSpec((RB, D), lambda i: (i, 0)),
            pl.BlockSpec((D, D), lambda i: (0, 0)),
            pl.BlockSpec((RB, NW), lambda i: (i, 0)),
        ],
        out_specs=[
            pl.BlockSpec((NC, RB, DH), lambda i: (0, i, 0)),
            pl.BlockSpec((RB, 1), lambda i: (i, 0)),
        ],
        out_shape=[
            jax.ShapeDtypeStruct((NC, N, DH), jnp.float32),
            jax.ShapeDtypeStruct((N, 1), jnp.float32),
        ],
    )(x, w1, hist)


def _mid(part, hs1, dinv, b1, w2):
    return pl.pallas_call(
        _mid_body,
        grid=(GRID,),
        in_specs=[
            pl.BlockSpec((NC, RB, DH), lambda i: (0, i, 0)),
            pl.BlockSpec((NC, RB, DH), lambda i: (0, i, 0)),
            pl.BlockSpec((RB, 1), lambda i: (i, 0)),
            pl.BlockSpec((1, D), lambda i: (0, 0)),
            pl.BlockSpec((D, D), lambda i: (0, 0)),
        ],
        out_specs=pl.BlockSpec((NC, RB, DH), lambda i: (0, i, 0)),
        out_shape=jax.ShapeDtypeStruct((NC, N, DH), jnp.float32),
    )(part, hs1, dinv, b1, w2)


def _final(part, hs2, dinv, b2):
    return pl.pallas_call(
        _out_body,
        grid=(GRID,),
        in_specs=[
            pl.BlockSpec((NC, RB, DH), lambda i: (0, i, 0)),
            pl.BlockSpec((NC, RB, DH), lambda i: (0, i, 0)),
            pl.BlockSpec((RB, 1), lambda i: (i, 0)),
            pl.BlockSpec((1, D), lambda i: (0, 0)),
        ],
        out_specs=pl.BlockSpec((RB, D), lambda i: (i, 0)),
        out_shape=jax.ShapeDtypeStruct((N, D), jnp.float32),
    )(part, hs2, dinv, b2)


@jax.jit
def kernel(x, edge_index, W1, b1, W2, b2):
    ei = edge_index.astype(jnp.int32)
    src = ei[0].reshape(NS, NCHUNK, CH)
    dst = ei[1].reshape(NS, NCHUNK, CH)
    dst_flat = ei[1].reshape(NW, EPW)
    b1r = b1.reshape(1, D)
    b2r = b2.reshape(1, D)

    hist = _degree_kernel(dst_flat)
    hs1, dinv = _mm1(x, W1, hist.T)
    part1 = _scatter_kernel(hs1, src, dst)
    hs2 = _mid(part1, hs1, dinv, b1r, W2)
    part2 = _scatter_kernel(hs2, src, dst)
    return _final(part2, hs2, dinv, b2r)

# --- scband reference (transcript-rebuilt; emitter-appended) ---
"""Pipeline reference for scband-auxiliary-gcnencoder-37529424233114 (READ-ONLY COPY).

The authoritative reference and input builder live on the scoring server;
editing this copy changes nothing except your own understanding.
"""

import jax, jax.numpy as jnp
import numpy as np

N_NODES = 10000
N_EDGES = 320000
IN_DIM = 128
HIDDEN_DIM = 128


def gcn_conv(x, edge_index, W, b, num_nodes):
    # PyG GCNConv: add self-loops, symmetric normalization D^-1/2 (A+I) D^-1/2 X W + b
    src = edge_index[0]
    dst = edge_index[1]
    loop = jnp.arange(num_nodes, dtype=edge_index.dtype)
    src = jnp.concatenate([src, loop])
    dst = jnp.concatenate([dst, loop])
    ones = jnp.ones(src.shape[0], dtype=x.dtype)
    deg = jax.ops.segment_sum(ones, dst, num_segments=num_nodes)
    deg_inv_sqrt = jnp.where(deg > 0, jax.lax.rsqrt(deg), 0.0)
    norm = deg_inv_sqrt[src] * deg_inv_sqrt[dst]
    h = x @ W
    msg = h[src] * norm[:, None]
    out = jax.ops.segment_sum(msg, dst, num_segments=num_nodes)
    return out + b


def setup_inputs(seed: int = 0) -> dict:
    key = jax.random.key(seed)
    k1, k2, k3, k4, k5 = jax.random.split(key, 5)
    x = jax.random.normal(k1, (N_NODES, IN_DIM), dtype=jnp.float32)
    edge_index = jax.random.randint(k2, (2, N_EDGES), 0, N_NODES, dtype=jnp.int64)
    # Glorot-style init for GCN linear weights
    s1 = 1.0 / np.sqrt(IN_DIM)
    s2 = 1.0 / np.sqrt(HIDDEN_DIM)
    W1 = jax.random.uniform(k3, (IN_DIM, HIDDEN_DIM), dtype=jnp.float32, minval=-s1, maxval=s1)
    b1 = jnp.zeros((HIDDEN_DIM,), dtype=jnp.float32)
    W2 = jax.random.uniform(k4, (HIDDEN_DIM, HIDDEN_DIM), dtype=jnp.float32, minval=-s2, maxval=s2)
    b2 = jnp.zeros((HIDDEN_DIM,), dtype=jnp.float32)
    return {"x": x, "edge_index": edge_index, "W1": W1, "b1": b1, "W2": W2, "b2": b2}


def reference(x, edge_index, W1, b1, W2, b2):
    h = gcn_conv(x, edge_index, W1, b1, N_NODES)
    h = jax.nn.relu(h)
    out = gcn_conv(h, edge_index, W2, b2, N_NODES)
    return out

if __name__ == "__main__":
    import jax
    _d = setup_inputs()
    print(jax.jit(kernel)(*tuple(_d.values())))

</pallas_src>

<mosaic_0001>
#map = affine_map<(d0, d1) -> (0, 0)>
module attributes {stable_mosaic.version = 14 : i64} {
  func.func @_degree_kernel(%arg0: i32, %arg1: i32, %arg2: memref<32x10000xi32, #tpu.memory_space<hbm>>, %arg3: memref<32x10000xf32, #tpu.memory_space<hbm>>, %arg4: memref<10000xi32, #tpu.memory_space<vmem>>, %arg5: memref<10000xf32, #tpu.memory_space<vmem>>) attributes {dimension_semantics = [#tpu.dimension_semantics<core_parallel>, #tpu.dimension_semantics<subcore_parallel>], iteration_bounds = array<i64: 2, 16>, scalar_prefetch = 0 : i64, scratch_operands = 2 : i64, tpu.core_type = #tpu.core_type<sc_vector_subcore>, window_params = [{transform_indices = #map}, {transform_indices = #map}]} {
    %mul3A = arith.constant 16 : i32
    %mul3A_0 = arith.muli %arg0, %mul3A : i32
    %add3A = arith.addi %mul3A_0, %arg1 : i32
    "tpu.region"() ({
      %run_scoped3A = tpu.sem_alloc : memref<!tpu.dma_semaphore, #tpu.memory_space<semaphore_mem>>
      %dma_start3A = arith.constant 0 : i32
      %dma_start3A_13 = tpu.memref_slice %arg2[%add3A, %dma_start3A] : memref<32x10000xi32, #tpu.memory_space<hbm>> -> memref<1x10000xi32, #tpu.memory_space<hbm>>
      %dma_start3A_14 = tpu.memref_squeeze %dma_start3A_13 : memref<1x10000xi32, #tpu.memory_space<hbm>> -> memref<10000xi32, #tpu.memory_space<hbm>>
      %dma_start3A_15 = arith.constant 0 : i32
      %dma_start3A_16 = tpu.memref_slice %arg2[%add3A, %dma_start3A_15] : memref<32x10000xi32, #tpu.memory_space<hbm>> -> memref<1x10000xi32, #tpu.memory_space<hbm>>
      %dma_start3A_17 = tpu.memref_squeeze %dma_start3A_16 : memref<1x10000xi32, #tpu.memory_space<hbm>> -> memref<10000xi32, #tpu.memory_space<hbm>>
      tpu.enqueue_dma source(%dma_start3A_17 : memref<10000xi32, #tpu.memory_space<hbm>>) target(%arg4 : memref<10000xi32, #tpu.memory_space<vmem>>) target_semaphore(%run_scoped3A : memref<!tpu.dma_semaphore, #tpu.memory_space<semaphore_mem>>)
      %dma_wait3A = arith.constant 0 : i32
      %dma_wait3A_18 = tpu.memref_slice %arg2[%add3A, %dma_wait3A] : memref<32x10000xi32, #tpu.memory_space<hbm>> -> memref<1x10000xi32, #tpu.memory_space<hbm>>
      %dma_wait3A_19 = tpu.memref_squeeze %dma_wait3A_18 : memref<1x10000xi32, #tpu.memory_space<hbm>> -> memref<10000xi32, #tpu.memory_space<hbm>>
      %dma_wait3A_20 = arith.constant 0 : i32
      %dma_wait3A_21 = tpu.memref_slice %arg2[%add3A, %dma_wait3A_20] : memref<32x10000xi32, #tpu.memory_space<hbm>> -> memref<1x10000xi32, #tpu.memory_space<hbm>>
      %dma_wait3A_22 = tpu.memref_squeeze %dma_wait3A_21 : memref<1x10000xi32, #tpu.memory_space<hbm>> -> memref<10000xi32, #tpu.memory_space<hbm>>
      tpu.wait_dma2 semaphore(%run_scoped3A : memref<!tpu.dma_semaphore, #tpu.memory_space<semaphore_mem>>) src(%dma_wait3A_22 : memref<10000xi32, #tpu.memory_space<hbm>>) dst(%arg4 : memref<10000xi32, #tpu.memory_space<vmem>>)
      tpu.yield
    }) : () -> ()
    %broadcast_in_dim3A = arith.constant 0.000000e+00 : f32
    %broadcast_in_dim3A_1 = vector.broadcast %broadcast_in_dim3A : f32 to vector<16xf32>
    %broadcast_in_dim3A_2 = arith.constant 1.000000e+00 : f32
    %broadcast_in_dim3A_3 = vector.broadcast %broadcast_in_dim3A_2 : f32 to vector<16xf32>
    %scan3A = arith.constant 0 : i32
    %scan3A_4 = arith.constant 625 : i32
    %scan3A_5 = arith.addi %scan3A, %scan3A_4 : i32
    %scan3A_6 = arith.constant 1 : i32
    scf.for %scan3A_13 = %scan3A to %scan3A_5 step %scan3A_6  : i32 {
      %mul3A_14 = arith.constant 16 : i32
      %mul3A_15 = arith.muli %scan3A_13, %mul3A_14 : i32
      %swap3A = arith.index_cast %mul3A_15 : i32 to index
      %swap3A_16 = tpu.vector_load %arg5[%swap3A] {strides = array<i32>} : memref<10000xf32, #tpu.memory_space<vmem>>, vector<16xf32>,
      tpu.vector_store %arg5[%swap3A], %broadcast_in_dim3A_1 {strides = array<i32>} : memref<10000xf32, #tpu.memory_space<vmem>>, vector<16xf32>,
    }
    %scan3A_7 = arith.constant 625 : i32
    %scan3A_8 = arith.constant 0 : i32
    %scan3A_9 = arith.constant 625 : i32
    %scan3A_10 = arith.addi %scan3A_8, %scan3A_9 : i32
    %scan3A_11 = arith.constant 1 : i32
    scf.for %scan3A_13 = %scan3A_8 to %scan3A_10 step %scan3A_11  : i32 {
      %mul3A_14 = arith.constant 16 : i32
      %mul3A_15 = arith.muli %scan3A_13, %mul3A_14 : i32
      %get3A = arith.index_cast %mul3A_15 : i32 to index
      %get3A_16 = tpu.vector_load %arg4[%get3A] {strides = array<i32>} : memref<10000xi32, #tpu.memory_space<vmem>>, vector<16xi32>,
      tpu.vector_store_idx %arg5[%get3A_16], %broadcast_in_dim3A_3 {add = true} : memref<10000xf32, #tpu.memory_space<vmem>>[vector<16xi32>], vector<16xf32>,
    }
    %scan3A_12 = arith.constant 625 : i32
    "tpu.region"() ({
      %run_scoped3A = tpu.sem_alloc : memref<!tpu.dma_semaphore, #tpu.memory_space<semaphore_mem>>
      %dma_start3A = arith.constant 0 : i32
      %dma_start3A_13 = tpu.memref_slice %arg3[%add3A, %dma_start3A] : memref<32x10000xf32, #tpu.memory_space<hbm>> -> memref<1x10000xf32, #tpu.memory_space<hbm>>
      %dma_start3A_14 = tpu.memref_squeeze %dma_start3A_13 : memref<1x10000xf32, #tpu.memory_space<hbm>> -> memref<10000xf32, #tpu.memory_space<hbm>>
      %dma_start3A_15 = arith.constant 0 : i32
      %dma_start3A_16 = tpu.memref_slice %arg3[%add3A, %dma_start3A_15] : memref<32x10000xf32, #tpu.memory_space<hbm>> -> memref<1x10000xf32, #tpu.memory_space<hbm>>
      %dma_start3A_17 = tpu.memref_squeeze %dma_start3A_16 : memref<1x10000xf32, #tpu.memory_space<hbm>> -> memref<10000xf32, #tpu.memory_space<hbm>>
      tpu.enqueue_dma source(%arg5 : memref<10000xf32, #tpu.memory_space<vmem>>) target(%dma_start3A_17 : memref<10000xf32, #tpu.memory_space<hbm>>) target_semaphore(%run_scoped3A : memref<!tpu.dma_semaphore, #tpu.memory_space<semaphore_mem>>)
      %dma_wait3A = arith.constant 0 : i32
      %dma_wait3A_18 = tpu.memref_slice %arg3[%add3A, %dma_wait3A] : memref<32x10000xf32, #tpu.memory_space<hbm>> -> memref<1x10000xf32, #tpu.memory_space<hbm>>
      %dma_wait3A_19 = tpu.memref_squeeze %dma_wait3A_18 : memref<1x10000xf32, #tpu.memory_space<hbm>> -> memref<10000xf32, #tpu.memory_space<hbm>>
      %dma_wait3A_20 = arith.constant 0 : i32
      %dma_wait3A_21 = tpu.memref_slice %arg3[%add3A, %dma_wait3A_20] : memref<32x10000xf32, #tpu.memory_space<hbm>> -> memref<1x10000xf32, #tpu.memory_space<hbm>>
      %dma_wait3A_22 = tpu.memref_squeeze %dma_wait3A_21 : memref<1x10000xf32, #tpu.memory_space<hbm>> -> memref<10000xf32, #tpu.memory_space<hbm>>
      tpu.wait_dma2 semaphore(%run_scoped3A : memref<!tpu.dma_semaphore, #tpu.memory_space<semaphore_mem>>) src(%arg5 : memref<10000xf32, #tpu.memory_space<vmem>>) dst(%dma_wait3A_22 : memref<10000xf32, #tpu.memory_space<hbm>>)
      tpu.yield
    }) : () -> ()
    return
  }
}

#map = affine_map<(d0, d1) -> (0, 0, 0)>
module attributes {stable_mosaic.version = 14 : i64} {
  func.func @_scatter_kernel(%arg0: i32, %arg1: i32, %arg2: memref<2x10000x64xf32, #tpu.memory_space<hbm>>, %arg3: memref<16x250x80xi32, #tpu.memory_space<hbm>>, %arg4: memref<16x250x80xi32, #tpu.memory_space<hbm>>, %arg5: memref<2x10000x64xf32, #tpu.memory_space<hbm>>, %arg6: memref<250x80xi32, #tpu.memory_space<vmem>>, %arg7: memref<250x80xi32, #tpu.memory_space<vmem>>, %arg8: memref<80x64xf32, #tpu.memory_space<vmem>>, %arg9: memref<80x64xf32, #tpu.memory_space<vmem>>, %arg10: memref<10000x64xf32, #tpu.memory_space<vmem_shared>>, %arg11: memref<!tpu.dma_semaphore, #tpu.memory_space<semaphore_mem>>) attributes {dimension_semantics = [#tpu.dimension_semantics<core_parallel>, #tpu.dimension_semantics<subcore_parallel>], iteration_bounds = array<i64: 2, 16>, scalar_prefetch = 0 : i64, scratch_operands = 6 : i64, tpu.core_type = #tpu.core_type<sc_vector_subcore>, window_params = [{transform_indices = #map}, {transform_indices = #map}, {transform_indices = #map}, {transform_indices = #map}]} {
    "tpu.region"() ({
      %run_scoped3A = tpu.sem_alloc : memref<!tpu.dma_semaphore, #tpu.memory_space<semaphore_mem>>
      %dma_start3A = arith.constant 0 : i32
      %dma_start3A_21 = arith.constant 0 : i32
      %dma_start3A_22 = tpu.memref_slice %arg3[%arg1, %dma_start3A, %dma_start3A_21] : memref<16x250x80xi32, #tpu.memory_space<hbm>> -> memref<1x250x80xi32, #tpu.memory_space<hbm>>
      %dma_start3A_23 = tpu.memref_squeeze %dma_start3A_22 : memref<1x250x80xi32, #tpu.memory_space<hbm>> -> memref<250x80xi32, #tpu.memory_space<hbm>>
      %dma_start3A_24 = arith.constant 0 : i32
      %dma_start3A_25 = arith.constant 0 : i32
      %dma_start3A_26 = tpu.memref_slice %arg3[%arg1, %dma_start3A_24, %dma_start3A_25] : memref<16x250x80xi32, #tpu.memory_space<hbm>> -> memref<1x250x80xi32, #tpu.memory_space<hbm>>
      %dma_start3A_27 = tpu.memref_squeeze %dma_start3A_26 : memref<1x250x80xi32, #tpu.memory_space<hbm>> -> memref<250x80xi32, #tpu.memory_space<hbm>>
      tpu.enqueue_dma source(%dma_start3A_27 : memref<250x80xi32, #tpu.memory_space<hbm>>) target(%arg6 : memref<250x80xi32, #tpu.memory_space<vmem>>) target_semaphore(%run_scoped3A : memref<!tpu.dma_semaphore, #tpu.memory_space<semaphore_mem>>)
      %dma_wait3A = arith.constant 0 : i32
      %dma_wait3A_28 = arith.constant 0 : i32
      %dma_wait3A_29 = tpu.memref_slice %arg3[%arg1, %dma_wait3A, %dma_wait3A_28] : memref<16x250x80xi32, #tpu.memory_space<hbm>> -> memref<1x250x80xi32, #tpu.memory_space<hbm>>
      %dma_wait3A_30 = tpu.memref_squeeze %dma_wait3A_29 : memref<1x250x80xi32, #tpu.memory_space<hbm>> -> memref<250x80xi32, #tpu.memory_space<hbm>>
      %dma_wait3A_31 = arith.constant 0 : i32
      %dma_wait3A_32 = arith.constant 0 : i32
      %dma_wait3A_33 = tpu.memref_slice %arg3[%arg1, %dma_wait3A_31, %dma_wait3A_32] : memref<16x250x80xi32, #tpu.memory_space<hbm>> -> memref<1x250x80xi32, #tpu.memory_space<hbm>>
      %dma_wait3A_34 = tpu.memref_squeeze %dma_wait3A_33 : memref<1x250x80xi32, #tpu.memory_space<hbm>> -> memref<250x80xi32, #tpu.memory_space<hbm>>
      tpu.wait_dma2 semaphore(%run_scoped3A : memref<!tpu.dma_semaphore, #tpu.memory_space<semaphore_mem>>) src(%dma_wait3A_34 : memref<250x80xi32, #tpu.memory_space<hbm>>) dst(%arg6 : memref<250x80xi32, #tpu.memory_space<vmem>>)
      tpu.yield
    }) : () -> ()
    "tpu.region"() ({
      %run_scoped3A = tpu.sem_alloc : memref<!tpu.dma_semaphore, #tpu.memory_space<semaphore_mem>>
      %dma_start3A = arith.constant 0 : i32
      %dma_start3A_21 = arith.constant 0 : i32
      %dma_start3A_22 = tpu.memref_slice %arg4[%arg1, %dma_start3A, %dma_start3A_21] : memref<16x250x80xi32, #tpu.memory_space<hbm>> -> memref<1x250x80xi32, #tpu.memory_space<hbm>>
      %dma_start3A_23 = tpu.memref_squeeze %dma_start3A_22 : memref<1x250x80xi32, #tpu.memory_space<hbm>> -> memref<250x80xi32, #tpu.memory_space<hbm>>
      %dma_start3A_24 = arith.constant 0 : i32
      %dma_start3A_25 = arith.constant 0 : i32
      %dma_start3A_26 = tpu.memref_slice %arg4[%arg1, %dma_start3A_24, %dma_start3A_25] : memref<16x250x80xi32, #tpu.memory_space<hbm>> -> memref<1x250x80xi32, #tpu.memory_space<hbm>>
      %dma_start3A_27 = tpu.memref_squeeze %dma_start3A_26 : memref<1x250x80xi32, #tpu.memory_space<hbm>> -> memref<250x80xi32, #tpu.memory_space<hbm>>
      tpu.enqueue_dma source(%dma_start3A_27 : memref<250x80xi32, #tpu.memory_space<hbm>>) target(%arg7 : memref<250x80xi32, #tpu.memory_space<vmem>>) target_semaphore(%run_scoped3A : memref<!tpu.dma_semaphore, #tpu.memory_space<semaphore_mem>>)
      %dma_wait3A = arith.constant 0 : i32
      %dma_wait3A_28 = arith.constant 0 : i32
      %dma_wait3A_29 = tpu.memref_slice %arg4[%arg1, %dma_wait3A, %dma_wait3A_28] : memref<16x250x80xi32, #tpu.memory_space<hbm>> -> memref<1x250x80xi32, #tpu.memory_space<hbm>>
      %dma_wait3A_30 = tpu.memref_squeeze %dma_wait3A_29 : memref<1x250x80xi32, #tpu.memory_space<hbm>> -> memref<250x80xi32, #tpu.memory_space<hbm>>
      %dma_wait3A_31 = arith.constant 0 : i32
      %dma_wait3A_32 = arith.constant 0 : i32
      %dma_wait3A_33 = tpu.memref_slice %arg4[%arg1, %dma_wait3A_31, %dma_wait3A_32] : memref<16x250x80xi32, #tpu.memory_space<hbm>> -> memref<1x250x80xi32, #tpu.memory_space<hbm>>
      %dma_wait3A_34 = tpu.memref_squeeze %dma_wait3A_33 : memref<1x250x80xi32, #tpu.memory_space<hbm>> -> memref<250x80xi32, #tpu.memory_space<hbm>>
      tpu.wait_dma2 semaphore(%run_scoped3A : memref<!tpu.dma_semaphore, #tpu.memory_space<semaphore_mem>>) src(%dma_wait3A_34 : memref<250x80xi32, #tpu.memory_space<hbm>>) dst(%arg7 : memref<250x80xi32, #tpu.memory_space<vmem>>)
      tpu.yield
    }) : () -> ()
    %broadcast_in_dim3A = arith.constant 0.000000e+00 : f32
    %broadcast_in_dim3A_0 = vector.broadcast %broadcast_in_dim3A : f32 to vector<16xf32>
    %scan3A = arith.constant 0 : i32
    %scan3A_1 = arith.constant 80 : i32
    %scan3A_2 = arith.addi %scan3A, %scan3A_1 : i32
    %scan3A_3 = arith.constant 1 : i32
    scf.for %scan3A_21 = %scan3A to %scan3A_2 step %scan3A_3  : i32 {
      %scan3A_22 = arith.constant 0 : i32
      %scan3A_23 = arith.constant 4 : i32
      %scan3A_24 = arith.addi %scan3A_22, %scan3A_23 : i32
      %scan3A_25 = arith.constant 1 : i32
      scf.for %scan3A_27 = %scan3A_22 to %scan3A_24 step %scan3A_25  : i32 {
        %mul3A = arith.constant 16 : i32
        %mul3A_28 = arith.muli %scan3A_27, %mul3A : i32
        %swap3A = arith.index_cast %scan3A_21 : i32 to index
        %swap3A_29 = arith.index_cast %mul3A_28 : i32 to index
        %swap3A_30 = tpu.vector_load %arg9[%swap3A, %swap3A_29] {strides = array<i32>} : memref<80x64xf32, #tpu.memory_space<vmem>>, vector<16xf32>,
        tpu.vector_store %arg9[%swap3A, %swap3A_29], %broadcast_in_dim3A_0 {strides = array<i32>} : memref<80x64xf32, #tpu.memory_space<vmem>>, vector<16xf32>,
      }
      %scan3A_26 = arith.constant 4 : i32
    }
    %scan3A_4 = arith.constant 80 : i32
    %scan3A_5 = arith.constant 0 : i32
    %scan3A_6 = arith.constant 8 : i32
    %scan3A_7 = arith.addi %scan3A_5, %scan3A_6 : i32
    %scan3A_8 = arith.constant 1 : i32
    scf.for %scan3A_21 = %scan3A_5 to %scan3A_7 step %scan3A_8  : i32 {
      %mul3A = arith.constant 8 : i32
      %mul3A_22 = arith.muli %arg1, %mul3A : i32
      %add3A = arith.addi %mul3A_22, %scan3A_21 : i32
      %lt3A = arith.constant 125 : i32
      %lt3A_23 = arith.cmpi slt, %add3A, %lt3A : i32
      %convert_element_type3A = arith.extui %lt3A_23 : i1 to i32
      %cond3A = arith.constant 0 : i32
      %cond3A_24 = arith.cmpi ne, %convert_element_type3A, %cond3A : i32
      scf.if %cond3A_24 {
        %mul3A_25 = arith.constant 80 : i32
        %mul3A_26 = arith.muli %add3A, %mul3A_25 : i32
        "tpu.region"() ({
          %run_scoped3A = tpu.sem_alloc : memref<!tpu.dma_semaphore, #tpu.memory_space<semaphore_mem>>
          %dma_start3A = arith.constant 0 : i32
          %dma_start3A_27 = tpu.memref_slice %arg10[%mul3A_26, %dma_start3A] : memref<10000x64xf32, #tpu.memory_space<vmem_shared>> -> memref<80x64xf32, #tpu.memory_space<vmem_shared>>
          %dma_start3A_28 = arith.constant 0 : i32
          %dma_start3A_29 = tpu.memref_slice %arg10[%mul3A_26, %dma_start3A_28] : memref<10000x64xf32, #tpu.memory_space<vmem_shared>> -> memref<80x64xf32, #tpu.memory_space<vmem_shared>>
          tpu.enqueue_dma source(%arg9 : memref<80x64xf32, #tpu.memory_space<vmem>>) target(%dma_start3A_29 : memref<80x64xf32, #tpu.memory_space<vmem_shared>>) target_semaphore(%run_scoped3A : memref<!tpu.dma_semaphore, #tpu.memory_space<semaphore_mem>>)
          %dma_wait3A = arith.constant 0 : i32
          %dma_wait3A_30 = tpu.memref_slice %arg10[%mul3A_26, %dma_wait3A] : memref<10000x64xf32, #tpu.memory_space<vmem_shared>> -> memref<80x64xf32, #tpu.memory_space<vmem_shared>>
          %dma_wait3A_31 = arith.constant 0 : i32
          %dma_wait3A_32 = tpu.memref_slice %arg10[%mul3A_26, %dma_wait3A_31] : memref<10000x64xf32, #tpu.memory_space<vmem_shared>> -> memref<80x64xf32, #tpu.memory_space<vmem_shared>>
          tpu.wait_dma2 semaphore(%run_scoped3A : memref<!tpu.dma_semaphore, #tpu.memory_space<semaphore_mem>>) src(%arg9 : memref<80x64xf32, #tpu.memory_space<vmem>>) dst(%dma_wait3A_32 : memref<80x64xf32, #tpu.memory_space<vmem_shared>>)
          tpu.yield
        }) : () -> ()
      } else {
      }
    }
    %scan3A_9 = arith.constant 8 : i32
    %barrier3A = arith.constant 0 : index
    tpu.barrier barrier_id(%barrier3A)
    %scan3A_10 = arith.constant 0 : i32
    %scan3A_11 = arith.constant 250 : i32
    %scan3A_12 = arith.addi %scan3A_10, %scan3A_11 : i32
    %scan3A_13 = arith.constant 1 : i32
    scf.for %scan3A_21 = %scan3A_10 to %scan3A_12 step %scan3A_13  : i32 {
      %dma_start3A = arith.constant 0 : i32
      %dma_start3A_22 = tpu.memref_slice %arg6[%scan3A_21, %dma_start3A] : memref<250x80xi32, #tpu.memory_space<vmem>> -> memref<1x80xi32, #tpu.memory_space<vmem>>
      %dma_start3A_23 = tpu.memref_squeeze %dma_start3A_22 : memref<1x80xi32, #tpu.memory_space<vmem>> -> memref<80xi32, #tpu.memory_space<vmem>>
      %dma_start3A_24 = arith.constant 0 : i32
      %dma_start3A_25 = arith.constant 0 : i32
      %dma_start3A_26 = tpu.memref_slice %arg2[%arg0, %dma_start3A_24, %dma_start3A_25] : memref<2x10000x64xf32, #tpu.memory_space<hbm>> -> memref<1x10000x64xf32, #tpu.memory_space<hbm>>
      %dma_start3A_27 = tpu.memref_squeeze %dma_start3A_26 : memref<1x10000x64xf32, #tpu.memory_space<hbm>> -> memref<10000x64xf32, #tpu.memory_space<hbm>>
      %dma_start3A_28 = arith.constant 0 : i32
      %dma_start3A_29 = arith.constant 0 : i32
      %dma_start3A_30 = tpu.memref_slice %dma_start3A_27[%dma_start3A_28, %dma_start3A_29] : memref<10000x64xf32, #tpu.memory_space<hbm>> -> memref<10000x64xf32, #tpu.memory_space<hbm>>
      tpu.enqueue_indirect_dma source(%dma_start3A_30 : memref<10000x64xf32, #tpu.memory_space<hbm>>) target(%arg8 : memref<80x64xf32, #tpu.memory_space<vmem>>) offsets(%dma_start3A_23 : memref<80xi32, #tpu.memory_space<vmem>>) semaphore(%arg11 : memref<!tpu.dma_semaphore, #tpu.memory_space<semaphore_mem>>)
      %dma_wait3A = arith.constant 0 : i32
      %dma_wait3A_31 = tpu.memref_slice %arg6[%scan3A_21, %dma_wait3A] : memref<250x80xi32, #tpu.memory_space<vmem>> -> memref<1x80xi32, #tpu.memory_space<vmem>>
      %dma_wait3A_32 = tpu.memref_squeeze %dma_wait3A_31 : memref<1x80xi32, #tpu.memory_space<vmem>> -> memref<80xi32, #tpu.memory_space<vmem>>
      %dma_wait3A_33 = arith.constant 0 : i32
      %dma_wait3A_34 = arith.constant 0 : i32
      %dma_wait3A_35 = tpu.memref_slice %arg2[%arg0, %dma_wait3A_33, %dma_wait3A_34] : memref<2x10000x64xf32, #tpu.memory_space<hbm>> -> memref<1x10000x64xf32, #tpu.memory_space<hbm>>
      %dma_wait3A_36 = tpu.memref_squeeze %dma_wait3A_35 : memref<1x10000x64xf32, #tpu.memory_space<hbm>> -> memref<10000x64xf32, #tpu.memory_space<hbm>>
      %dma_wait3A_37 = arith.constant 0 : i32
      %dma_wait3A_38 = arith.constant 0 : i32
      %dma_wait3A_39 = tpu.memref_slice %dma_wait3A_36[%dma_wait3A_37, %dma_wait3A_38] : memref<10000x64xf32, #tpu.memory_space<hbm>> -> memref<10000x64xf32, #tpu.memory_space<hbm>>
      tpu.wait_indirect_dma semaphore(%arg11 : memref<!tpu.dma_semaphore, #tpu.memory_space<semaphore_mem>>) src(%dma_wait3A_39 : memref<10000x64xf32, #tpu.memory_space<hbm>>) dst(%arg8 : memref<80x64xf32, #tpu.memory_space<vmem>>)
      "tpu.region"() ({
        %run_scoped3A = tpu.sem_alloc : memref<!tpu.dma_semaphore, #tpu.memory_space<semaphore_mem>>
        %dma_start3A_40 = arith.constant 0 : i32
        %dma_start3A_41 = tpu.memref_slice %arg7[%scan3A_21, %dma_start3A_40] : memref<250x80xi32, #tpu.memory_space<vmem>> -> memref<1x80xi32, #tpu.memory_space<vmem>>
        %dma_start3A_42 = tpu.memref_squeeze %dma_start3A_41 : memref<1x80xi32, #tpu.memory_space<vmem>> -> memref<80xi32, #tpu.memory_space<vmem>>
        %dma_start3A_43 = arith.constant 0 : i32
        %dma_start3A_44 = arith.constant 0 : i32
        %dma_start3A_45 = tpu.memref_slice %arg10[%dma_start3A_43, %dma_start3A_44] : memref<10000x64xf32, #tpu.memory_space<vmem_shared>> -> memref<10000x64xf32, #tpu.memory_space<vmem_shared>>
        tpu.enqueue_indirect_dma source(%arg8 : memref<80x64xf32, #tpu.memory_space<vmem>>) target(%dma_start3A_45 : memref<10000x64xf32, #tpu.memory_space<vmem_shared>>) offsets(%dma_start3A_42 : memref<80xi32, #tpu.memory_space<vmem>>) semaphore(%run_scoped3A : memref<!tpu.dma_semaphore, #tpu.memory_space<semaphore_mem>>) {add = true}
        %dma_wait3A_46 = arith.constant 0 : i32
        %dma_wait3A_47 = tpu.memref_slice %arg7[%scan3A_21, %dma_wait3A_46] : memref<250x80xi32, #tpu.memory_space<vmem>> -> memref<1x80xi32, #tpu.memory_space<vmem>>
        %dma_wait3A_48 = tpu.memref_squeeze %dma_wait3A_47 : memref<1x80xi32, #tpu.memory_space<vmem>> -> memref<80xi32, #tpu.memory_space<vmem>>
        %dma_wait3A_49 = arith.constant 0 : i32
        %dma_wait3A_50 = arith.constant 0 : i32
        %dma_wait3A_51 = tpu.memref_slice %arg10[%dma_wait3A_49, %dma_wait3A_50] : memref<10000x64xf32, #tpu.memory_space<vmem_shared>> -> memref<10000x64xf32, #tpu.memory_space<vmem_shared>>
        tpu.wait_indirect_dma semaphore(%run_scoped3A : memref<!tpu.dma_semaphore, #tpu.memory_space<semaphore_mem>>) src(%arg8 : memref<80x64xf32, #tpu.memory_space<vmem>>) dst(%dma_wait3A_51 : memref<10000x64xf32, #tpu.memory_space<vmem_shared>>)
        tpu.yield
      }) : () -> ()
    }
    %scan3A_14 = arith.constant 250 : i32
    %barrier3A_15 = arith.constant 0 : index
    tpu.barrier barrier_id(%barrier3A_15)
    %scan3A_16 = arith.constant 0 : i32
    %scan3A_17 = arith.constant 8 : i32
    %scan3A_18 = arith.addi %scan3A_16, %scan3A_17 : i32
    %scan3A_19 = arith.constant 1 : i32
    scf.for %scan3A_21 = %scan3A_16 to %scan3A_18 step %scan3A_19  : i32 {
      %mul3A = arith.constant 8 : i32
      %mul3A_22 = arith.muli %arg1, %mul3A : i32
      %add3A = arith.addi %mul3A_22, %scan3A_21 : i32
      %lt3A = arith.constant 125 : i32
      %lt3A_23 = arith.cmpi slt, %add3A, %lt3A : i32
      %convert_element_type3A = arith.extui %lt3A_23 : i1 to i32
      %cond3A = arith.constant 0 : i32
      %cond3A_24 = arith.cmpi ne, %convert_element_type3A, %cond3A : i32
      scf.if %cond3A_24 {
        %mul3A_25 = arith.constant 80 : i32
        %mul3A_26 = arith.muli %add3A, %mul3A_25 : i32
        %mul3A_27 = arith.constant 80 : i32
        %mul3A_28 = arith.muli %add3A, %mul3A_27 : i32
        "tpu.region"() ({
          %run_scoped3A = tpu.sem_alloc : memref<!tpu.dma_semaphore, #tpu.memory_space<semaphore_mem>>
          %dma_start3A = arith.constant 0 : i32
          %dma_start3A_29 = tpu.memref_slice %arg5[%arg0, %mul3A_28, %dma_start3A] : memref<2x10000x64xf32, #tpu.memory_space<hbm>> -> memref<1x80x64xf32, #tpu.memory_space<hbm>>
          %dma_start3A_30 = tpu.memref_squeeze %dma_start3A_29 : memref<1x80x64xf32, #tpu.memory_space<hbm>> -> memref<80x64xf32, #tpu.memory_space<hbm>>
          %dma_start3A_31 = arith.constant 0 : i32
          %dma_start3A_32 = tpu.memref_slice %arg10[%mul3A_26, %dma_start3A_31] : memref<10000x64xf32, #tpu.memory_space<vmem_shared>> -> memref<80x64xf32, #tpu.memory_space<vmem_shared>>
          tpu.enqueue_dma source(%dma_start3A_32 : memref<80x64xf32, #tpu.memory_space<vmem_shared>>) target(%dma_start3A_30 : memref<80x64xf32, #tpu.memory_space<hbm>>) target_semaphore(%run_scoped3A : memref<!tpu.dma_semaphore, #tpu.memory_space<semaphore_mem>>)
          %dma_wait3A = arith.constant 0 : i32
          %dma_wait3A_33 = tpu.memref_slice %arg5[%arg0, %mul3A_28, %dma_wait3A] : memref<2x10000x64xf32, #tpu.memory_space<hbm>> -> memref<1x80x64xf32, #tpu.memory_space<hbm>>
          %dma_wait3A_34 = tpu.memref_squeeze %dma_wait3A_33 : memref<1x80x64xf32, #tpu.memory_space<hbm>> -> memref<80x64xf32, #tpu.memory_space<hbm>>
          %dma_wait3A_35 = arith.constant 0 : i32
          %dma_wait3A_36 = tpu.memref_slice %arg10[%mul3A_26, %dma_wait3A_35] : memref<10000x64xf32, #tpu.memory_space<vmem_shared>> -> memref<80x64xf32, #tpu.memory_space<vmem_shared>>
          tpu.wait_dma2 semaphore(%run_scoped3A : memref<!tpu.dma_semaphore, #tpu.memory_space<semaphore_mem>>) src(%dma_wait3A_36 : memref<80x64xf32, #tpu.memory_space<vmem_shared>>) dst(%dma_wait3A_34 : memref<80x64xf32, #tpu.memory_space<hbm>>)
          tpu.yield
        }) : () -> ()
      } else {
      }
    }
    %scan3A_20 = arith.constant 8 : i32
    return
  }
}

#map = affine_map<(d0, d1) -> (0, 0, 0)>
module attributes {stable_mosaic.version = 14 : i64} {
  func.func @_scatter_kernel(%arg0: i32, %arg1: i32, %arg2: memref<2x10000x64xf32, #tpu.memory_space<hbm>>, %arg3: memref<16x250x80xi32, #tpu.memory_space<hbm>>, %arg4: memref<16x250x80xi32, #tpu.memory_space<hbm>>, %arg5: memref<2x10000x64xf32, #tpu.memory_space<hbm>>, %arg6: memref<250x80xi32, #tpu.memory_space<vmem>>, %arg7: memref<250x80xi32, #tpu.memory_space<vmem>>, %arg8: memref<80x64xf32, #tpu.memory_space<vmem>>, %arg9: memref<80x64xf32, #tpu.memory_space<vmem>>, %arg10: memref<10000x64xf32, #tpu.memory_space<vmem_shared>>, %arg11: memref<!tpu.dma_semaphore, #tpu.memory_space<semaphore_mem>>) attributes {dimension_semantics = [#tpu.dimension_semantics<core_parallel>, #tpu.dimension_semantics<subcore_parallel>], iteration_bounds = array<i64: 2, 16>, scalar_prefetch = 0 : i64, scratch_operands = 6 : i64, tpu.core_type = #tpu.core_type<sc_vector_subcore>, window_params = [{transform_indices = #map}, {transform_indices = #map}, {transform_indices = #map}, {transform_indices = #map}]} {
    "tpu.region"() ({
      %run_scoped3A = tpu.sem_alloc : memref<!tpu.dma_semaphore, #tpu.memory_space<semaphore_mem>>
      %dma_start3A = arith.constant 0 : i32
      %dma_start3A_21 = arith.constant 0 : i32
      %dma_start3A_22 = tpu.memref_slice %arg3[%arg1, %dma_start3A, %dma_start3A_21] : memref<16x250x80xi32, #tpu.memory_space<hbm>> -> memref<1x250x80xi32, #tpu.memory_space<hbm>>
      %dma_start3A_23 = tpu.memref_squeeze %dma_start3A_22 : memref<1x250x80xi32, #tpu.memory_space<hbm>> -> memref<250x80xi32, #tpu.memory_space<hbm>>
      %dma_start3A_24 = arith.constant 0 : i32
      %dma_start3A_25 = arith.constant 0 : i32
      %dma_start3A_26 = tpu.memref_slice %arg3[%arg1, %dma_start3A_24, %dma_start3A_25] : memref<16x250x80xi32, #tpu.memory_space<hbm>> -> memref<1x250x80xi32, #tpu.memory_space<hbm>>
      %dma_start3A_27 = tpu.memref_squeeze %dma_start3A_26 : memref<1x250x80xi32, #tpu.memory_space<hbm>> -> memref<250x80xi32, #tpu.memory_space<hbm>>
      tpu.enqueue_dma source(%dma_start3A_27 : memref<250x80xi32, #tpu.memory_space<hbm>>) target(%arg6 : memref<250x80xi32, #tpu.memory_space<vmem>>) target_semaphore(%run_scoped3A : memref<!tpu.dma_semaphore, #tpu.memory_space<semaphore_mem>>)
      %dma_wait3A = arith.constant 0 : i32
      %dma_wait3A_28 = arith.constant 0 : i32
      %dma_wait3A_29 = tpu.memref_slice %arg3[%arg1, %dma_wait3A, %dma_wait3A_28] : memref<16x250x80xi32, #tpu.memory_space<hbm>> -> memref<1x250x80xi32, #tpu.memory_space<hbm>>
      %dma_wait3A_30 = tpu.memref_squeeze %dma_wait3A_29 : memref<1x250x80xi32, #tpu.memory_space<hbm>> -> memref<250x80xi32, #tpu.memory_space<hbm>>
      %dma_wait3A_31 = arith.constant 0 : i32
      %dma_wait3A_32 = arith.constant 0 : i32
      %dma_wait3A_33 = tpu.memref_slice %arg3[%arg1, %dma_wait3A_31, %dma_wait3A_32] : memref<16x250x80xi32, #tpu.memory_space<hbm>> -> memref<1x250x80xi32, #tpu.memory_space<hbm>>
      %dma_wait3A_34 = tpu.memref_squeeze %dma_wait3A_33 : memref<1x250x80xi32, #tpu.memory_space<hbm>> -> memref<250x80xi32, #tpu.memory_space<hbm>>
      tpu.wait_dma2 semaphore(%run_scoped3A : memref<!tpu.dma_semaphore, #tpu.memory_space<semaphore_mem>>) src(%dma_wait3A_34 : memref<250x80xi32, #tpu.memory_space<hbm>>) dst(%arg6 : memref<250x80xi32, #tpu.memory_space<vmem>>)
      tpu.yield
    }) : () -> ()
    "tpu.region"() ({
      %run_scoped3A = tpu.sem_alloc : memref<!tpu.dma_semaphore, #tpu.memory_space<semaphore_mem>>
      %dma_start3A = arith.constant 0 : i32
      %dma_start3A_21 = arith.constant 0 : i32
      %dma_start3A_22 = tpu.memref_slice %arg4[%arg1, %dma_start3A, %dma_start3A_21] : memref<16x250x80xi32, #tpu.memory_space<hbm>> -> memref<1x250x80xi32, #tpu.memory_space<hbm>>
      %dma_start3A_23 = tpu.memref_squeeze %dma_start3A_22 : memref<1x250x80xi32, #tpu.memory_space<hbm>> -> memref<250x80xi32, #tpu.memory_space<hbm>>
      %dma_start3A_24 = arith.constant 0 : i32
      %dma_start3A_25 = arith.constant 0 : i32
      %dma_start3A_26 = tpu.memref_slice %arg4[%arg1, %dma_start3A_24, %dma_start3A_25] : memref<16x250x80xi32, #tpu.memory_space<hbm>> -> memref<1x250x80xi32, #tpu.memory_space<hbm>>
      %dma_start3A_27 = tpu.memref_squeeze %dma_start3A_26 : memref<1x250x80xi32, #tpu.memory_space<hbm>> -> memref<250x80xi32, #tpu.memory_space<hbm>>
      tpu.enqueue_dma source(%dma_start3A_27 : memref<250x80xi32, #tpu.memory_space<hbm>>) target(%arg7 : memref<250x80xi32, #tpu.memory_space<vmem>>) target_semaphore(%run_scoped3A : memref<!tpu.dma_semaphore, #tpu.memory_space<semaphore_mem>>)
      %dma_wait3A = arith.constant 0 : i32
      %dma_wait3A_28 = arith.constant 0 : i32
      %dma_wait3A_29 = tpu.memref_slice %arg4[%arg1, %dma_wait3A, %dma_wait3A_28] : memref<16x250x80xi32, #tpu.memory_space<hbm>> -> memref<1x250x80xi32, #tpu.memory_space<hbm>>
      %dma_wait3A_30 = tpu.memref_squeeze %dma_wait3A_29 : memref<1x250x80xi32, #tpu.memory_space<hbm>> -> memref<250x80xi32, #tpu.memory_space<hbm>>
      %dma_wait3A_31 = arith.constant 0 : i32
      %dma_wait3A_32 = arith.constant 0 : i32
      %dma_wait3A_33 = tpu.memref_slice %arg4[%arg1, %dma_wait3A_31, %dma_wait3A_32] : memref<16x250x80xi32, #tpu.memory_space<hbm>> -> memref<1x250x80xi32, #tpu.memory_space<hbm>>
      %dma_wait3A_34 = tpu.memref_squeeze %dma_wait3A_33 : memref<1x250x80xi32, #tpu.memory_space<hbm>> -> memref<250x80xi32, #tpu.memory_space<hbm>>
      tpu.wait_dma2 semaphore(%run_scoped3A : memref<!tpu.dma_semaphore, #tpu.memory_space<semaphore_mem>>) src(%dma_wait3A_34 : memref<250x80xi32, #tpu.memory_space<hbm>>) dst(%arg7 : memref<250x80xi32, #tpu.memory_space<vmem>>)
      tpu.yield
    }) : () -> ()
    %broadcast_in_dim3A = arith.constant 0.000000e+00 : f32
    %broadcast_in_dim3A_0 = vector.broadcast %broadcast_in_dim3A : f32 to vector<16xf32>
    %scan3A = arith.constant 0 : i32
    %scan3A_1 = arith.constant 80 : i32
    %scan3A_2 = arith.addi %scan3A, %scan3A_1 : i32
    %scan3A_3 = arith.constant 1 : i32
    scf.for %scan3A_21 = %scan3A to %scan3A_2 step %scan3A_3  : i32 {
      %scan3A_22 = arith.constant 0 : i32
      %scan3A_23 = arith.constant 4 : i32
      %scan3A_24 = arith.addi %scan3A_22, %scan3A_23 : i32
      %scan3A_25 = arith.constant 1 : i32
      scf.for %scan3A_27 = %scan3A_22 to %scan3A_24 step %scan3A_25  : i32 {
        %mul3A = arith.constant 16 : i32
        %mul3A_28 = arith.muli %scan3A_27, %mul3A : i32
        %swap3A = arith.index_cast %scan3A_21 : i32 to index
        %swap3A_29 = arith.index_cast %mul3A_28 : i32 to index
        %swap3A_30 = tpu.vector_load %arg9[%swap3A, %swap3A_29] {strides = array<i32>} : memref<80x64xf32, #tpu.memory_space<vmem>>, vector<16xf32>,
        tpu.vector_store %arg9[%swap3A, %swap3A_29], %broadcast_in_dim3A_0 {strides = array<i32>} : memref<80x64xf32, #tpu.memory_space<vmem>>, vector<16xf32>,
      }
      %scan3A_26 = arith.constant 4 : i32
    }
    %scan3A_4 = arith.constant 80 : i32
    %scan3A_5 = arith.constant 0 : i32
    %scan3A_6 = arith.constant 8 : i32
    %scan3A_7 = arith.addi %scan3A_5, %scan3A_6 : i32
    %scan3A_8 = arith.constant 1 : i32
    scf.for %scan3A_21 = %scan3A_5 to %scan3A_7 step %scan3A_8  : i32 {
      %mul3A = arith.constant 8 : i32
      %mul3A_22 = arith.muli %arg1, %mul3A : i32
      %add3A = arith.addi %mul3A_22, %scan3A_21 : i32
      %lt3A = arith.constant 125 : i32
      %lt3A_23 = arith.cmpi slt, %add3A, %lt3A : i32
      %convert_element_type3A = arith.extui %lt3A_23 : i1 to i32
      %cond3A = arith.constant 0 : i32
      %cond3A_24 = arith.cmpi ne, %convert_element_type3A, %cond3A : i32
      scf.if %cond3A_24 {
        %mul3A_25 = arith.constant 80 : i32
        %mul3A_26 = arith.muli %add3A, %mul3A_25 : i32
        "tpu.region"() ({
          %run_scoped3A = tpu.sem_alloc : memref<!tpu.dma_semaphore, #tpu.memory_space<semaphore_mem>>
          %dma_start3A = arith.constant 0 : i32
          %dma_start3A_27 = tpu.memref_slice %arg10[%mul3A_26, %dma_start3A] : memref<10000x64xf32, #tpu.memory_space<vmem_shared>> -> memref<80x64xf32, #tpu.memory_space<vmem_shared>>
          %dma_start3A_28 = arith.constant 0 : i32
          %dma_start3A_29 = tpu.memref_slice %arg10[%mul3A_26, %dma_start3A_28] : memref<10000x64xf32, #tpu.memory_space<vmem_shared>> -> memref<80x64xf32, #tpu.memory_space<vmem_shared>>
          tpu.enqueue_dma source(%arg9 : memref<80x64xf32, #tpu.memory_space<vmem>>) target(%dma_start3A_29 : memref<80x64xf32, #tpu.memory_space<vmem_shared>>) target_semaphore(%run_scoped3A : memref<!tpu.dma_semaphore, #tpu.memory_space<semaphore_mem>>)
          %dma_wait3A = arith.constant 0 : i32
          %dma_wait3A_30 = tpu.memref_slice %arg10[%mul3A_26, %dma_wait3A] : memref<10000x64xf32, #tpu.memory_space<vmem_shared>> -> memref<80x64xf32, #tpu.memory_space<vmem_shared>>
          %dma_wait3A_31 = arith.constant 0 : i32
          %dma_wait3A_32 = tpu.memref_slice %arg10[%mul3A_26, %dma_wait3A_31] : memref<10000x64xf32, #tpu.memory_space<vmem_shared>> -> memref<80x64xf32, #tpu.memory_space<vmem_shared>>
          tpu.wait_dma2 semaphore(%run_scoped3A : memref<!tpu.dma_semaphore, #tpu.memory_space<semaphore_mem>>) src(%arg9 : memref<80x64xf32, #tpu.memory_space<vmem>>) dst(%dma_wait3A_32 : memref<80x64xf32, #tpu.memory_space<vmem_shared>>)
          tpu.yield
        }) : () -> ()
      } else {
      }
    }
    %scan3A_9 = arith.constant 8 : i32
    %barrier3A = arith.constant 0 : index
    tpu.barrier barrier_id(%barrier3A)
    %scan3A_10 = arith.constant 0 : i32
    %scan3A_11 = arith.constant 250 : i32
    %scan3A_12 = arith.addi %scan3A_10, %scan3A_11 : i32
    %scan3A_13 = arith.constant 1 : i32
    scf.for %scan3A_21 = %scan3A_10 to %scan3A_12 step %scan3A_13  : i32 {
      %dma_start3A = arith.constant 0 : i32
      %dma_start3A_22 = tpu.memref_slice %arg6[%scan3A_21, %dma_start3A] : memref<250x80xi32, #tpu.memory_space<vmem>> -> memref<1x80xi32, #tpu.memory_space<vmem>>
      %dma_start3A_23 = tpu.memref_squeeze %dma_start3A_22 : memref<1x80xi32, #tpu.memory_space<vmem>> -> memref<80xi32, #tpu.memory_space<vmem>>
      %dma_start3A_24 = arith.constant 0 : i32
      %dma_start3A_25 = arith.constant 0 : i32
      %dma_start3A_26 = tpu.memref_slice %arg2[%arg0, %dma_start3A_24, %dma_start3A_25] : memref<2x10000x64xf32, #tpu.memory_space<hbm>> -> memref<1x10000x64xf32, #tpu.memory_space<hbm>>
      %dma_start3A_27 = tpu.memref_squeeze %dma_start3A_26 : memref<1x10000x64xf32, #tpu.memory_space<hbm>> -> memref<10000x64xf32, #tpu.memory_space<hbm>>
      %dma_start3A_28 = arith.constant 0 : i32
      %dma_start3A_29 = arith.constant 0 : i32
      %dma_start3A_30 = tpu.memref_slice %dma_start3A_27[%dma_start3A_28, %dma_start3A_29] : memref<10000x64xf32, #tpu.memory_space<hbm>> -> memref<10000x64xf32, #tpu.memory_space<hbm>>
      tpu.enqueue_indirect_dma source(%dma_start3A_30 : memref<10000x64xf32, #tpu.memory_space<hbm>>) target(%arg8 : memref<80x64xf32, #tpu.memory_space<vmem>>) offsets(%dma_start3A_23 : memref<80xi32, #tpu.memory_space<vmem>>) semaphore(%arg11 : memref<!tpu.dma_semaphore, #tpu.memory_space<semaphore_mem>>)
      %dma_wait3A = arith.constant 0 : i32
      %dma_wait3A_31 = tpu.memref_slice %arg6[%scan3A_21, %dma_wait3A] : memref<250x80xi32, #tpu.memory_space<vmem>> -> memref<1x80xi32, #tpu.memory_space<vmem>>
      %dma_wait3A_32 = tpu.memref_squeeze %dma_wait3A_31 : memref<1x80xi32, #tpu.memory_space<vmem>> -> memref<80xi32, #tpu.memory_space<vmem>>
      %dma_wait3A_33 = arith.constant 0 : i32
      %dma_wait3A_34 = arith.constant 0 : i32
      %dma_wait3A_35 = tpu.memref_slice %arg2[%arg0, %dma_wait3A_33, %dma_wait3A_34] : memref<2x10000x64xf32, #tpu.memory_space<hbm>> -> memref<1x10000x64xf32, #tpu.memory_space<hbm>>
      %dma_wait3A_36 = tpu.memref_squeeze %dma_wait3A_35 : memref<1x10000x64xf32, #tpu.memory_space<hbm>> -> memref<10000x64xf32, #tpu.memory_space<hbm>>
      %dma_wait3A_37 = arith.constant 0 : i32
      %dma_wait3A_38 = arith.constant 0 : i32
      %dma_wait3A_39 = tpu.memref_slice %dma_wait3A_36[%dma_wait3A_37, %dma_wait3A_38] : memref<10000x64xf32, #tpu.memory_space<hbm>> -> memref<10000x64xf32, #tpu.memory_space<hbm>>
      tpu.wait_indirect_dma semaphore(%arg11 : memref<!tpu.dma_semaphore, #tpu.memory_space<semaphore_mem>>) src(%dma_wait3A_39 : memref<10000x64xf32, #tpu.memory_space<hbm>>) dst(%arg8 : memref<80x64xf32, #tpu.memory_space<vmem>>)
      "tpu.region"() ({
        %run_scoped3A = tpu.sem_alloc : memref<!tpu.dma_semaphore, #tpu.memory_space<semaphore_mem>>
        %dma_start3A_40 = arith.constant 0 : i32
        %dma_start3A_41 = tpu.memref_slice %arg7[%scan3A_21, %dma_start3A_40] : memref<250x80xi32, #tpu.memory_space<vmem>> -> memref<1x80xi32, #tpu.memory_space<vmem>>
        %dma_start3A_42 = tpu.memref_squeeze %dma_start3A_41 : memref<1x80xi32, #tpu.memory_space<vmem>> -> memref<80xi32, #tpu.memory_space<vmem>>
        %dma_start3A_43 = arith.constant 0 : i32
        %dma_start3A_44 = arith.constant 0 : i32
        %dma_start3A_45 = tpu.memref_slice %arg10[%dma_start3A_43, %dma_start3A_44] : memref<10000x64xf32, #tpu.memory_space<vmem_shared>> -> memref<10000x64xf32, #tpu.memory_space<vmem_shared>>
        tpu.enqueue_indirect_dma source(%arg8 : memref<80x64xf32, #tpu.memory_space<vmem>>) target(%dma_start3A_45 : memref<10000x64xf32, #tpu.memory_space<vmem_shared>>) offsets(%dma_start3A_42 : memref<80xi32, #tpu.memory_space<vmem>>) semaphore(%run_scoped3A : memref<!tpu.dma_semaphore, #tpu.memory_space<semaphore_mem>>) {add = true}
        %dma_wait3A_46 = arith.constant 0 : i32
        %dma_wait3A_47 = tpu.memref_slice %arg7[%scan3A_21, %dma_wait3A_46] : memref<250x80xi32, #tpu.memory_space<vmem>> -> memref<1x80xi32, #tpu.memory_space<vmem>>
        %dma_wait3A_48 = tpu.memref_squeeze %dma_wait3A_47 : memref<1x80xi32, #tpu.memory_space<vmem>> -> memref<80xi32, #tpu.memory_space<vmem>>
        %dma_wait3A_49 = arith.constant 0 : i32
        %dma_wait3A_50 = arith.constant 0 : i32
        %dma_wait3A_51 = tpu.memref_slice %arg10[%dma_wait3A_49, %dma_wait3A_50] : memref<10000x64xf32, #tpu.memory_space<vmem_shared>> -> memref<10000x64xf32, #tpu.memory_space<vmem_shared>>
        tpu.wait_indirect_dma semaphore(%run_scoped3A : memref<!tpu.dma_semaphore, #tpu.memory_space<semaphore_mem>>) src(%arg8 : memref<80x64xf32, #tpu.memory_space<vmem>>) dst(%dma_wait3A_51 : memref<10000x64xf32, #tpu.memory_space<vmem_shared>>)
        tpu.yield
      }) : () -> ()
    }
    %scan3A_14 = arith.constant 250 : i32
    %barrier3A_15 = arith.constant 0 : index
    tpu.barrier barrier_id(%barrier3A_15)
    %scan3A_16 = arith.constant 0 : i32
    %scan3A_17 = arith.constant 8 : i32
    %scan3A_18 = arith.addi %scan3A_16, %scan3A_17 : i32
    %scan3A_19 = arith.constant 1 : i32
    scf.for %scan3A_21 = %scan3A_16 to %scan3A_18 step %scan3A_19  : i32 {
      %mul3A = arith.constant 8 : i32
      %mul3A_22 = arith.muli %arg1, %mul3A : i32
      %add3A = arith.addi %mul3A_22, %scan3A_21 : i32
      %lt3A = arith.constant 125 : i32
      %lt3A_23 = arith.cmpi slt, %add3A, %lt3A : i32
      %convert_element_type3A = arith.extui %lt3A_23 : i1 to i32
      %cond3A = arith.constant 0 : i32
      %cond3A_24 = arith.cmpi ne, %convert_element_type3A, %cond3A : i32
      scf.if %cond3A_24 {
        %mul3A_25 = arith.constant 80 : i32
        %mul3A_26 = arith.muli %add3A, %mul3A_25 : i32
        %mul3A_27 = arith.constant 80 : i32
        %mul3A_28 = arith.muli %add3A, %mul3A_27 : i32
        "tpu.region"() ({
          %run_scoped3A = tpu.sem_alloc : memref<!tpu.dma_semaphore, #tpu.memory_space<semaphore_mem>>
          %dma_start3A = arith.constant 0 : i32
          %dma_start3A_29 = tpu.memref_slice %arg5[%arg0, %mul3A_28, %dma_start3A] : memref<2x10000x64xf32, #tpu.memory_space<hbm>> -> memref<1x80x64xf32, #tpu.memory_space<hbm>>
          %dma_start3A_30 = tpu.memref_squeeze %dma_start3A_29 : memref<1x80x64xf32, #tpu.memory_space<hbm>> -> memref<80x64xf32, #tpu.memory_space<hbm>>
          %dma_start3A_31 = arith.constant 0 : i32
          %dma_start3A_32 = tpu.memref_slice %arg10[%mul3A_26, %dma_start3A_31] : memref<10000x64xf32, #tpu.memory_space<vmem_shared>> -> memref<80x64xf32, #tpu.memory_space<vmem_shared>>
          tpu.enqueue_dma source(%dma_start3A_32 : memref<80x64xf32, #tpu.memory_space<vmem_shared>>) target(%dma_start3A_30 : memref<80x64xf32, #tpu.memory_space<hbm>>) target_semaphore(%run_scoped3A : memref<!tpu.dma_semaphore, #tpu.memory_space<semaphore_mem>>)
          %dma_wait3A = arith.constant 0 : i32
          %dma_wait3A_33 = tpu.memref_slice %arg5[%arg0, %mul3A_28, %dma_wait3A] : memref<2x10000x64xf32, #tpu.memory_space<hbm>> -> memref<1x80x64xf32, #tpu.memory_space<hbm>>
          %dma_wait3A_34 = tpu.memref_squeeze %dma_wait3A_33 : memref<1x80x64xf32, #tpu.memory_space<hbm>> -> memref<80x64xf32, #tpu.memory_space<hbm>>
          %dma_wait3A_35 = arith.constant 0 : i32
          %dma_wait3A_36 = tpu.memref_slice %arg10[%mul3A_26, %dma_wait3A_35] : memref<10000x64xf32, #tpu.memory_space<vmem_shared>> -> memref<80x64xf32, #tpu.memory_space<vmem_shared>>
          tpu.wait_dma2 semaphore(%run_scoped3A : memref<!tpu.dma_semaphore, #tpu.memory_space<semaphore_mem>>) src(%dma_wait3A_36 : memref<80x64xf32, #tpu.memory_space<vmem_shared>>) dst(%dma_wait3A_34 : memref<80x64xf32, #tpu.memory_space<hbm>>)
          tpu.yield
        }) : () -> ()
      } else {
      }
    }
    %scan3A_20 = arith.constant 8 : i32
    return
  }
}

module attributes {stable_mosaic.version = 14 : i64} {
  func.func @_mm1_body(%arg0: i32, %arg1: memref<2000x128xf32, #tpu.memory_space<vmem>>, %arg2: memref<128x128xf32, #tpu.memory_space<vmem>>, %arg3: memref<2000x32xf32, #tpu.memory_space<vmem>>, %arg4: memref<2x2000x64xf32, #tpu.memory_space<vmem>>, %arg5: memref<2000x1xf32, #tpu.memory_space<vmem>>) attributes {dimension_semantics = [#tpu.dimension_semantics<arbitrary>], iteration_bounds = array<i64: 5>, scalar_prefetch = 0 : i64, scratch_operands = 0 : i64, tpu.core_type = #tpu.core_type<tc>, window_params = [{transform_indices = @transform_0, window_bounds = array<i64: 2000, 128>}, {pipeline_mode = #tpu.pipeline_mode<synchronous>, transform_indices = @transform_1, window_bounds = array<i64: 128, 128>}, {transform_indices = @transform_2, window_bounds = array<i64: 2000, 32>}, {transform_indices = @transform_3, window_bounds = array<i64: 2, 2000, 64>}, {transform_indices = @transform_4, window_bounds = array<i64: 2000, 1>}]} {
    %get3A = arith.constant 0 : index
    %get3A_0 = arith.constant 0 : index
    %get3A_1 = vector.load %arg3[%get3A, %get3A_0] : memref<2000x32xf32, #tpu.memory_space<vmem>>, vector<2000x32xf32>
    %reduce_sum3A = arith.constant dense<0.000000e+00> : vector<2000xf32>
    %reduce_sum3A_2 = vector.multi_reduction <add>, %get3A_1, %reduce_sum3A [1] : vector<2000x32xf32> to vector<2000xf32>
    %add3A = arith.constant 1.000000e+00 : f32
    %add3A_3 = vector.broadcast %add3A : f32 to vector<2000xf32>
    %add3A_4 = arith.addf %reduce_sum3A_2, %add3A_3 : vector<2000xf32>
    %rsqrt3A = math.rsqrt %add3A_4 : vector<2000xf32>
    %get3A_5 = arith.constant 0 : index
    %get3A_6 = arith.constant 0 : index
    %get3A_7 = vector.load %arg1[%get3A_5, %get3A_6] : memref<2000x128xf32, #tpu.memory_space<vmem>>, vector<2000x128xf32>
    %get3A_8 = arith.constant 0 : index
    %get3A_9 = arith.constant 0 : index
    %get3A_10 = vector.load %arg2[%get3A_8, %get3A_9] : memref<128x128xf32, #tpu.memory_space<vmem>>, vector<128x128xf32>
    %dot_general3A = arith.constant dense<0.000000e+00> : vector<2000x128xf32>
    %dot_general3A_11 = tpu.matmul %get3A_7, %get3A_10, %dot_general3A {dimension_numbers = #tpu.dot_dimension_numbers<[1], [0], [0], [1], [0, 0, 1, 1], [], []>, transpose_lhs_hint = false} : vector<2000x128xf32>, vector<128x128xf32>, vector<2000x128xf32> -> vector<2000x128xf32>
    %broadcast_in_dim3A = vector.shape_cast %rsqrt3A : vector<2000xf32> to vector<2000x1xf32>
    %mul3A = vector.broadcast %broadcast_in_dim3A : vector<2000x1xf32> to vector<2000x128xf32>
    %mul3A_12 = arith.mulf %dot_general3A_11, %mul3A : vector<2000x128xf32>
    %slice3A = vector.extract_strided_slice %mul3A_12 {offsets = [0, 0], sizes = [2000, 64], strides = [1, 1]} : vector<2000x128xf32> to vector<2000x64xf32>
    %swap3A = arith.constant 0 : index
    %swap3A_13 = arith.constant 0 : index
    %swap3A_14 = arith.constant 0 : index
    %swap3A_15 = vector.load %arg4[%swap3A, %swap3A_13, %swap3A_14] : memref<2x2000x64xf32, #tpu.memory_space<vmem>>, vector<1x2000x64xf32>
    %swap3A_16 = vector.shape_cast %swap3A_15 : vector<1x2000x64xf32> to vector<2000x64xf32>
    %swap3A_17 = vector.shape_cast %slice3A : vector<2000x64xf32> to vector<1x2000x64xf32>
    tpu.vector_store %arg4[%swap3A, %swap3A_13, %swap3A_14], %swap3A_17 {strides = array<i32>} : memref<2x2000x64xf32, #tpu.memory_space<vmem>>, vector<1x2000x64xf32>,
    %slice3A_18 = vector.extract_strided_slice %mul3A_12 {offsets = [0, 64], sizes = [2000, 64], strides = [1, 1]} : vector<2000x128xf32> to vector<2000x64xf32>
    %swap3A_19 = arith.constant 1 : index
    %swap3A_20 = arith.constant 0 : index
    %swap3A_21 = arith.constant 0 : index
    %swap3A_22 = vector.load %arg4[%swap3A_19, %swap3A_20, %swap3A_21] : memref<2x2000x64xf32, #tpu.memory_space<vmem>>, vector<1x2000x64xf32>
    %swap3A_23 = vector.shape_cast %swap3A_22 : vector<1x2000x64xf32> to vector<2000x64xf32>
    %swap3A_24 = vector.shape_cast %slice3A_18 : vector<2000x64xf32> to vector<1x2000x64xf32>
    tpu.vector_store %arg4[%swap3A_19, %swap3A_20, %swap3A_21], %swap3A_24 {strides = array<i32>} : memref<2x2000x64xf32, #tpu.memory_space<vmem>>, vector<1x2000x64xf32>,
    %broadcast_in_dim3A_25 = vector.shape_cast %rsqrt3A : vector<2000xf32> to vector<2000x1xf32>
    %swap3A_26 = arith.constant 0 : index
    %swap3A_27 = arith.constant 0 : index
    %swap3A_28 = vector.load %arg5[%swap3A_26, %swap3A_27] : memref<2000x1xf32, #tpu.memory_space<vmem>>, vector<2000x1xf32>
    tpu.vector_store %arg5[%swap3A_26, %swap3A_27], %broadcast_in_dim3A_25 {strides = array<i32>} : memref<2000x1xf32, #tpu.memory_space<vmem>>, vector<2000x1xf32>,
    return
  }
  func.func @transform_0(%arg0: i32) -> (i32, i32) {
    %c0_i32 = arith.constant 0 : i32
    %c0_i32_0 = arith.constant 0 : i32
    return %arg0, %c0_i32 : i32, i32
  }
  func.func @transform_1(%arg0: i32) -> (i32, i32) {
    %c0_i32 = arith.constant 0 : i32
    %c0_i32_0 = arith.constant 0 : i32
    %c0_i32_1 = arith.constant 0 : i32
    return %c0_i32, %c0_i32_0 : i32, i32
  }
  func.func @transform_2(%arg0: i32) -> (i32, i32) {
    %c0_i32 = arith.constant 0 : i32
    %c0_i32_0 = arith.constant 0 : i32
    return %arg0, %c0_i32 : i32, i32
  }
  func.func @transform_3(%arg0: i32) -> (i32, i32, i32) {
    %c0_i32 = arith.constant 0 : i32
    %c0_i32_0 = arith.constant 0 : i32
    %c0_i32_1 = arith.constant 0 : i32
    return %c0_i32, %arg0, %c0_i32_0 : i32, i32, i32
  }
  func.func @transform_4(%arg0: i32) -> (i32, i32) {
    %c0_i32 = arith.constant 0 : i32
    %c0_i32_0 = arith.constant 0 : i32
    return %arg0, %c0_i32 : i32, i32
  }
}

module attributes {stable_mosaic.version = 14 : i64} {
  func.func @_mid_body(%arg0: i32, %arg1: memref<2x2000x64xf32, #tpu.memory_space<vmem>>, %arg2: memref<2x2000x64xf32, #tpu.memory_space<vmem>>, %arg3: memref<2000x1xf32, #tpu.memory_space<vmem>>, %arg4: memref<1x128xf32, #tpu.memory_space<vmem>>, %arg5: memref<128x128xf32, #tpu.memory_space<vmem>>, %arg6: memref<2x2000x64xf32, #tpu.memory_space<vmem>>) attributes {dimension_semantics = [#tpu.dimension_semantics<arbitrary>], iteration_bounds = array<i64: 5>, scalar_prefetch = 0 : i64, scratch_operands = 0 : i64, tpu.core_type = #tpu.core_type<tc>, window_params = [{transform_indices = @transform_0, window_bounds = array<i64: 2, 2000, 64>}, {transform_indices = @transform_1, window_bounds = array<i64: 2, 2000, 64>}, {transform_indices = @transform_2, window_bounds = array<i64: 2000, 1>}, {pipeline_mode = #tpu.pipeline_mode<synchronous>, transform_indices = @transform_3, window_bounds = array<i64: 1, 128>}, {pipeline_mode = #tpu.pipeline_mode<synchronous>, transform_indices = @transform_4, window_bounds = array<i64: 128, 128>}, {transform_indices = @transform_5, window_bounds = array<i64: 2, 2000, 64>}]} {
    %get3A = arith.constant 0 : index
    %get3A_0 = arith.constant 0 : index
    %get3A_1 = arith.constant 0 : index
    %get3A_2 = vector.load %arg1[%get3A, %get3A_0, %get3A_1] : memref<2x2000x64xf32, #tpu.memory_space<vmem>>, vector<1x2000x64xf32>
    %get3A_3 = vector.shape_cast %get3A_2 : vector<1x2000x64xf32> to vector<2000x64xf32>
    %get3A_4 = arith.constant 0 : index
    %get3A_5 = arith.constant 0 : index
    %get3A_6 = arith.constant 0 : index
    %get3A_7 = vector.load %arg2[%get3A_4, %get3A_5, %get3A_6] : memref<2x2000x64xf32, #tpu.memory_space<vmem>>, vector<1x2000x64xf32>
    %get3A_8 = vector.shape_cast %get3A_7 : vector<1x2000x64xf32> to vector<2000x64xf32>
    %add3A = arith.addf %get3A_3, %get3A_8 : vector<2000x64xf32>
    %get3A_9 = arith.constant 1 : index
    %get3A_10 = arith.constant 0 : index
    %get3A_11 = arith.constant 0 : index
    %get3A_12 = vector.load %arg1[%get3A_9, %get3A_10, %get3A_11] : memref<2x2000x64xf32, #tpu.memory_space<vmem>>, vector<1x2000x64xf32>
    %get3A_13 = vector.shape_cast %get3A_12 : vector<1x2000x64xf32> to vector<2000x64xf32>
    %get3A_14 = arith.constant 1 : index
    %get3A_15 = arith.constant 0 : index
    %get3A_16 = arith.constant 0 : index
    %get3A_17 = vector.load %arg2[%get3A_14, %get3A_15, %get3A_16] : memref<2x2000x64xf32, #tpu.memory_space<vmem>>, vector<1x2000x64xf32>
    %get3A_18 = vector.shape_cast %get3A_17 : vector<1x2000x64xf32> to vector<2000x64xf32>
    %add3A_19 = arith.addf %get3A_13, %get3A_18 : vector<2000x64xf32>
    %concatenate3A = tpu.concatenate %add3A, %add3A_19 in 1 : vector<2000x64xf32>, vector<2000x64xf32> -> vector<2000x128xf32>
    %get3A_20 = arith.constant 0 : index
    %get3A_21 = arith.constant 0 : index
    %get3A_22 = vector.load %arg3[%get3A_20, %get3A_21] : memref<2000x1xf32, #tpu.memory_space<vmem>>, vector<2000x1xf32>
    %mul3A = vector.broadcast %get3A_22 : vector<2000x1xf32> to vector<2000x128xf32>
    %mul3A_23 = arith.mulf %mul3A, %concatenate3A : vector<2000x128xf32>
    %get3A_24 = arith.constant 0 : index
    %get3A_25 = arith.constant 0 : index
    %get3A_26 = vector.load %arg4[%get3A_24, %get3A_25] : memref<1x128xf32, #tpu.memory_space<vmem>>, vector<1x128xf32>
    %add3A_27 = vector.broadcast %get3A_26 : vector<1x128xf32> to vector<2000x128xf32>
    %add3A_28 = arith.addf %mul3A_23, %add3A_27 : vector<2000x128xf32>
    %max3A = arith.constant 0.000000e+00 : f32
    %max3A_29 = vector.broadcast %max3A : f32 to vector<2000x128xf32>
    %max3A_30 = arith.maximumf %add3A_28, %max3A_29 : vector<2000x128xf32>
    %get3A_31 = arith.constant 0 : index
    %get3A_32 = arith.constant 0 : index
    %get3A_33 = vector.load %arg5[%get3A_31, %get3A_32] : memref<128x128xf32, #tpu.memory_space<vmem>>, vector<128x128xf32>
    %dot_general3A = arith.constant dense<0.000000e+00> : vector<2000x128xf32>
    %dot_general3A_34 = tpu.matmul %max3A_30, %get3A_33, %dot_general3A {dimension_numbers = #tpu.dot_dimension_numbers<[1], [0], [0], [1], [0, 0, 1, 1], [], []>, transpose_lhs_hint = false} : vector<2000x128xf32>, vector<128x128xf32>, vector<2000x128xf32> -> vector<2000x128xf32>
    %mul3A_35 = vector.broadcast %get3A_22 : vector<2000x1xf32> to vector<2000x128xf32>
    %mul3A_36 = arith.mulf %dot_general3A_34, %mul3A_35 : vector<2000x128xf32>
    %slice3A = vector.extract_strided_slice %mul3A_36 {offsets = [0, 0], sizes = [2000, 64], strides = [1, 1]} : vector<2000x128xf32> to vector<2000x64xf32>
    %swap3A = arith.constant 0 : index
    %swap3A_37 = arith.constant 0 : index
    %swap3A_38 = arith.constant 0 : index
    %swap3A_39 = vector.load %arg6[%swap3A, %swap3A_37, %swap3A_38] : memref<2x2000x64xf32, #tpu.memory_space<vmem>>, vector<1x2000x64xf32>
    %swap3A_40 = vector.shape_cast %swap3A_39 : vector<1x2000x64xf32> to vector<2000x64xf32>
    %swap3A_41 = vector.shape_cast %slice3A : vector<2000x64xf32> to vector<1x2000x64xf32>
    tpu.vector_store %arg6[%swap3A, %swap3A_37, %swap3A_38], %swap3A_41 {strides = array<i32>} : memref<2x2000x64xf32, #tpu.memory_space<vmem>>, vector<1x2000x64xf32>,
    %slice3A_42 = vector.extract_strided_slice %mul3A_36 {offsets = [0, 64], sizes = [2000, 64], strides = [1, 1]} : vector<2000x128xf32> to vector<2000x64xf32>
    %swap3A_43 = arith.constant 1 : index
    %swap3A_44 = arith.constant 0 : index
    %swap3A_45 = arith.constant 0 : index
    %swap3A_46 = vector.load %arg6[%swap3A_43, %swap3A_44, %swap3A_45] : memref<2x2000x64xf32, #tpu.memory_space<vmem>>, vector<1x2000x64xf32>
    %swap3A_47 = vector.shape_cast %swap3A_46 : vector<1x2000x64xf32> to vector<2000x64xf32>
    %swap3A_48 = vector.shape_cast %slice3A_42 : vector<2000x64xf32> to vector<1x2000x64xf32>
    tpu.vector_store %arg6[%swap3A_43, %swap3A_44, %swap3A_45], %swap3A_48 {strides = array<i32>} : memref<2x2000x64xf32, #tpu.memory_space<vmem>>, vector<1x2000x64xf32>,
    return
  }
  func.func @transform_0(%arg0: i32) -> (i32, i32, i32) {
    %c0_i32 = arith.constant 0 : i32
    %c0_i32_0 = arith.constant 0 : i32
    %c0_i32_1 = arith.constant 0 : i32
    return %c0_i32, %arg0, %c0_i32_0 : i32, i32, i32
  }
  func.func @transform_1(%arg0: i32) -> (i32, i32, i32) {
    %c0_i32 = arith.constant 0 : i32
    %c0_i32_0 = arith.constant 0 : i32
    %c0_i32_1 = arith.constant 0 : i32
    return %c0_i32, %arg0, %c0_i32_0 : i32, i32, i32
  }
  func.func @transform_2(%arg0: i32) -> (i32, i32) {
    %c0_i32 = arith.constant 0 : i32
    %c0_i32_0 = arith.constant 0 : i32
    return %arg0, %c0_i32 : i32, i32
  }
  func.func @transform_3(%arg0: i32) -> (i32, i32) {
    %c0_i32 = arith.constant 0 : i32
    %c0_i32_0 = arith.constant 0 : i32
    %c0_i32_1 = arith.constant 0 : i32
    return %c0_i32, %c0_i32_0 : i32, i32
  }
  func.func @transform_4(%arg0: i32) -> (i32, i32) {
    %c0_i32 = arith.constant 0 : i32
    %c0_i32_0 = arith.constant 0 : i32
    %c0_i32_1 = arith.constant 0 : i32
    return %c0_i32, %c0_i32_0 : i32, i32
  }
  func.func @transform_5(%arg0: i32) -> (i32, i32, i32) {
    %c0_i32 = arith.constant 0 : i32
    %c0_i32_0 = arith.constant 0 : i32
    %c0_i32_1 = arith.constant 0 : i32
    return %c0_i32, %arg0, %c0_i32_0 : i32, i32, i32
  }
}

module attributes {stable_mosaic.version = 14 : i64} {
  func.func @_out_body(%arg0: i32, %arg1: memref<2x2000x64xf32, #tpu.memory_space<vmem>>, %arg2: memref<2x2000x64xf32, #tpu.memory_space<vmem>>, %arg3: memref<2000x1xf32, #tpu.memory_space<vmem>>, %arg4: memref<1x128xf32, #tpu.memory_space<vmem>>, %arg5: memref<2000x128xf32, #tpu.memory_space<vmem>>) attributes {dimension_semantics = [#tpu.dimension_semantics<arbitrary>], iteration_bounds = array<i64: 5>, scalar_prefetch = 0 : i64, scratch_operands = 0 : i64, tpu.core_type = #tpu.core_type<tc>, window_params = [{transform_indices = @transform_0, window_bounds = array<i64: 2, 2000, 64>}, {transform_indices = @transform_1, window_bounds = array<i64: 2, 2000, 64>}, {transform_indices = @transform_2, window_bounds = array<i64: 2000, 1>}, {pipeline_mode = #tpu.pipeline_mode<synchronous>, transform_indices = @transform_3, window_bounds = array<i64: 1, 128>}, {transform_indices = @transform_4, window_bounds = array<i64: 2000, 128>}]} {
    %get3A = arith.constant 0 : index
    %get3A_0 = arith.constant 0 : index
    %get3A_1 = arith.constant 0 : index
    %get3A_2 = vector.load %arg1[%get3A, %get3A_0, %get3A_1] : memref<2x2000x64xf32, #tpu.memory_space<vmem>>, vector<1x2000x64xf32>
    %get3A_3 = vector.shape_cast %get3A_2 : vector<1x2000x64xf32> to vector<2000x64xf32>
    %get3A_4 = arith.constant 0 : index
    %get3A_5 = arith.constant 0 : index
    %get3A_6 = arith.constant 0 : index
    %get3A_7 = vector.load %arg2[%get3A_4, %get3A_5, %get3A_6] : memref<2x2000x64xf32, #tpu.memory_space<vmem>>, vector<1x2000x64xf32>
    %get3A_8 = vector.shape_cast %get3A_7 : vector<1x2000x64xf32> to vector<2000x64xf32>
    %add3A = arith.addf %get3A_3, %get3A_8 : vector<2000x64xf32>
    %get3A_9 = arith.constant 1 : index
    %get3A_10 = arith.constant 0 : index
    %get3A_11 = arith.constant 0 : index
    %get3A_12 = vector.load %arg1[%get3A_9, %get3A_10, %get3A_11] : memref<2x2000x64xf32, #tpu.memory_space<vmem>>, vector<1x2000x64xf32>
    %get3A_13 = vector.shape_cast %get3A_12 : vector<1x2000x64xf32> to vector<2000x64xf32>
    %get3A_14 = arith.constant 1 : index
    %get3A_15 = arith.constant 0 : index
    %get3A_16 = arith.constant 0 : index
    %get3A_17 = vector.load %arg2[%get3A_14, %get3A_15, %get3A_16] : memref<2x2000x64xf32, #tpu.memory_space<vmem>>, vector<1x2000x64xf32>
    %get3A_18 = vector.shape_cast %get3A_17 : vector<1x2000x64xf32> to vector<2000x64xf32>
    %add3A_19 = arith.addf %get3A_13, %get3A_18 : vector<2000x64xf32>
    %concatenate3A = tpu.concatenate %add3A, %add3A_19 in 1 : vector<2000x64xf32>, vector<2000x64xf32> -> vector<2000x128xf32>
    %get3A_20 = arith.constant 0 : index
    %get3A_21 = arith.constant 0 : index
    %get3A_22 = vector.load %arg3[%get3A_20, %get3A_21] : memref<2000x1xf32, #tpu.memory_space<vmem>>, vector<2000x1xf32>
    %mul3A = vector.broadcast %get3A_22 : vector<2000x1xf32> to vector<2000x128xf32>
    %mul3A_23 = arith.mulf %mul3A, %concatenate3A : vector<2000x128xf32>
    %get3A_24 = arith.constant 0 : index
    %get3A_25 = arith.constant 0 : index
    %get3A_26 = vector.load %arg4[%get3A_24, %get3A_25] : memref<1x128xf32, #tpu.memory_space<vmem>>, vector<1x128xf32>
    %add3A_27 = vector.broadcast %get3A_26 : vector<1x128xf32> to vector<2000x128xf32>
    %add3A_28 = arith.addf %mul3A_23, %add3A_27 : vector<2000x128xf32>
    %swap3A = arith.constant 0 : index
    %swap3A_29 = arith.constant 0 : index
    %swap3A_30 = vector.load %arg5[%swap3A, %swap3A_29] : memref<2000x128xf32, #tpu.memory_space<vmem>>, vector<2000x128xf32>
    tpu.vector_store %arg5[%swap3A, %swap3A_29], %add3A_28 {strides = array<i32>} : memref<2000x128xf32, #tpu.memory_space<vmem>>, vector<2000x128xf32>,
    return
  }
  func.func @transform_0(%arg0: i32) -> (i32, i32, i32) {
    %c0_i32 = arith.constant 0 : i32
    %c0_i32_0 = arith.constant 0 : i32
    %c0_i32_1 = arith.constant 0 : i32
    return %c0_i32, %arg0, %c0_i32_0 : i32, i32, i32
  }
  func.func @transform_1(%arg0: i32) -> (i32, i32, i32) {
    %c0_i32 = arith.constant 0 : i32
    %c0_i32_0 = arith.constant 0 : i32
    %c0_i32_1 = arith.constant 0 : i32
    return %c0_i32, %arg0, %c0_i32_0 : i32, i32, i32
  }
  func.func @transform_2(%arg0: i32) -> (i32, i32) {
    %c0_i32 = arith.constant 0 : i32
    %c0_i32_0 = arith.constant 0 : i32
    return %arg0, %c0_i32 : i32, i32
  }
  func.func @transform_3(%arg0: i32) -> (i32, i32) {
    %c0_i32 = arith.constant 0 : i32
    %c0_i32_0 = arith.constant 0 : i32
    %c0_i32_1 = arith.constant 0 : i32
    return %c0_i32, %c0_i32_0 : i32, i32
  }
  func.func @transform_4(%arg0: i32) -> (i32, i32) {
    %c0_i32 = arith.constant 0 : i32
    %c0_i32_0 = arith.constant 0 : i32
    return %arg0, %c0_i32 : i32, i32
  }
}

</mosaic_0001>

<sc_bundles>
// kernel: kernel.11.cloned.1.call-start
scs
__scs_entry_jumppad:
0x0: {  	(pc) =	sbr.rel $0x88, $3  }
0x1: {  	(tag) =	ssettag $0x0;
	lr =	simm.s32 $0x1  }
0x2: {  	[smem:$0x3F9B] =	sst lr;
	_ =	strace $0xD0000000  }
0x3: {  	_ = 	snop  }
0x4: {  	_ = 	snop  }
0x5: {  	_ = 	snop  }
0x6: {  	_ = 	snop  }
0x7: {  	_ = 	snop  }
__scs_overlays_trampoline_lowered:
0x8: {  	[smem:$0x3FAA] =	sst s0  }
0x9: {  	[smem:$0x3FAB] =	sst s1  }
0xa: {  	[smem:$0x3FAC] =	sst s2  }
0xb: {  	[smem:$0x3FAD] =	sst s3  }
0xc: {  	[smem:$0x3FAE] =	sst s4  }
0xd: {  	[smem:$0x3FAF] =	sst s5  }
0xe: {  	[smem:$0x3FB0] =	sst s6  }
0xf: {  	[smem:$0x3FB1] =	sst s7  }
0x10: {  	[smem:$0x3FB2] =	sst s8  }
0x11: {  	[smem:$0x3FB3] =	sst s9;
	s0 =	simm.s32 @!p0 $0x0  }
0x12: {  	s1 =	sld [smem:$0x3F99];
	s0 =	simm.s32 @p0 $0x1  }
0x13: {  	[smem:$0x3FB4] =	sst s0;
	s0 =	simm.s32 @!p1 $0x0  }
0x14: {  	s2 =	sld [smem:$0x3F98];
	s0 =	simm.s32 @p1 $0x1  }
0x15: {  	[smem:$0x3FB5] =	sst s0;
	s0 =	simm.s32 @!p2 $0x0  }
0x16: {  	s3 =	sld [smem:$0x3FDB];
	s0 =	simm.s32 @p2 $0x1  }
0x17: {  	s4 =	simm.s32 $0x1BF5;
	[smem:$0x3FB7] =	sst s0  }
0x18: {  	s0 =	sld [smem:$0x3F9A];
	_ =	swait.ge [sflag:s4], $0x0  }
0x19: {  	s7 =	sld [smem:$0x3F9B]  }
0x1a: {  	s8 =	sadd.s32 $0xFFFFE003, lr  }
0x1b: {  	s9 =	sadd.s32 $0xFFFFFEF7, lr;
	s5 =	simm.s32 $0xFFFFFFFF;
	p2 =	slt.u32 s8, $0xFFFFF086  }
0x1c: {  	p1 =	slt.u32 s9, $0xF7A;
	s5 =	simm.s32 @!p2 $0x0  }
0x1d: {  	s5 =	simm.s32 @p1 $0x1;
	p0 =	seq.s32 s7, s2  }
0x1e: {  	s7 =	smul.u32 @!p0 $0xF7A, s2;
	p2 =	seq.s32 @!p0 s5, $0x0  }
0x1f: {  	s9 =	smul.u32 $0xF7A, s1;
	s8 =	simm.s32 @!p0 $0x1BF5;
	p2 =	por !p2, p0  }
0x20: {  	[sflag:s8] =	ssyncset.s32 @!p0 $0xFFFFF086;
	s6 =	sadd.s32 @!p0 s3, s7;
	s7 =	simm.s32 @!p0 $0x108  }
0x21: {  	s3 =	sadd.s32 s3, s9;
	s6 =	sadd.s32 @!p0 $0x88, s6;
	s7 =	simm.s32 @p2 $0x1082  }
0x22: {  	[simem:s7], [sflag:s8] =	dma.local @!p0 [hbm:s6], $0xF7A  }
0x23: {  	s9 =	sor.u32 $0xD0000000, s2;
	s6 =	simm.s32 $0x108;
	_ =	swait.ge @!p0 [sflag:s8], $0x0  }
0x24: {  	s3 =	sadd.s32 $0x88, s3;
	s6 =	simm.s32 @!p1 $0x1082;
	[sflag:s4] =	ssyncset.s32 $0xFFFFF086  }
0x25: {  	[simem:s6], [sflag:s4] =	dma.local [hbm:s3], $0xF7A  }
0x26: {  	[smem:$0x3F9B] =	sst s1;
	(tag) =	ssettag s2;
	_ =	strace s9  }
0x27: {  	s1 =	sld [smem:$0x3FAB]  }
0x28: {  	s2 =	sld [smem:$0x3FAC]  }
0x29: {  	s4 =	sld [smem:$0x3FAE]  }
0x2a: {  	p0 =	seq.s32 s5, $0x0;
	s5 =	sld [smem:$0x3FAF]  }
0x2b: {  	s6 =	sld [smem:$0x3FB0]  }
0x2c: {  	s7 =	sld [smem:$0x3FB1]  }
0x2d: {  	s3 =	simm.s32 $0x108;
	s8 =	sld [smem:$0x3FB2]  }
0x2e: {  	s3 =	simm.s32 @!p0 $0x1082;
	s9 =	sld [smem:$0x3FB3]  }
0x2f: {  	lr =	sadd.s32 s0, s3;
	s0 =	sld [smem:$0x3FAA]  }
0x30: {  	s3 =	sld [smem:$0x3FAD]  }
0x31: {  	[smem:$0x3FB6] =	sst s10  }
0x32: {  	s10 =	sld [smem:$0x3FB4];
	_ =	sdelay $0x3  }
0x33: {  	p0 =	seq.s32 s10, $0x1;
	s10 =	sld [smem:$0x3FB6];
	_ =	sdelay $0x3  }
0x34: {  	[smem:$0x3FB6] =	sst s10  }
0x35: {  	s10 =	sld [smem:$0x3FB5];
	_ =	sdelay $0x3  }
0x36: {  	p1 =	seq.s32 s10, $0x1;
	s10 =	sld [smem:$0x3FB6];
	_ =	sdelay $0x3  }
0x37: {  	[smem:$0x3FB6] =	sst s10  }
0x38: {  	s10 =	sld [smem:$0x3FB7]  }
0x39: {  	_ = 	snop;
	(pc) =	sbr.ind lr, $3  }
0x3a: {  	_ = 	snop  }
0x3b: {  	_ = 	snop  }
0x3c: {  	p2 =	seq.s32 s10, $0x1;
	s10 =	sld [smem:$0x3FB6]  }
0x3d: {  	_ =	shalt  }
0x3e: {  	_ =	shalt  }
0x3f: {  	_ =	shalt  }
0x40: {  	_ =	shalt  }
0x41: {  	_ =	shalt  }
0x42: {  	_ =	shalt  }
0x43: {  	_ =	shalt  }
0x44: {  	_ =	shalt  }
0x45: {  	_ =	shalt  }
0x46: {  	_ =	shalt  }
0x47: {  	_ =	shalt  }
0x48: {  	_ =	shalt  }
0x49: {  	_ =	shalt  }
0x4a: {  	_ =	shalt  }
0x4b: {  	_ =	shalt  }
0x4c: {  	_ =	shalt  }
0x4d: {  	_ =	shalt  }
0x4e: {  	_ =	shalt  }
0x4f: {  	_ =	shalt  }
0x50: {  	_ =	shalt  }
0x51: {  	_ =	shalt  }
0x52: {  	_ =	shalt  }
0x53: {  	_ =	shalt  }
0x54: {  	_ =	shalt  }
0x55: {  	_ =	shalt  }
0x56: {  	_ =	shalt  }
0x57: {  	_ =	shalt  }
0x58: {  	_ =	shalt  }
0x59: {  	_ =	shalt  }
0x5a: {  	_ =	shalt  }
0x5b: {  	_ =	shalt  }
0x5c: {  	_ =	shalt  }
0x5d: {  	_ =	shalt  }
0x5e: {  	_ =	shalt  }
0x5f: {  	_ =	shalt  }
0x60: {  	_ =	shalt  }
0x61: {  	_ =	shalt  }
0x62: {  	_ =	shalt  }
0x63: {  	_ =	shalt  }
0x64: {  	_ =	shalt  }
0x65: {  	_ =	shalt  }
0x66: {  	_ =	shalt  }
0x67: {  	_ =	shalt  }
0x68: {  	_ =	shalt  }
0x69: {  	_ =	shalt  }
0x6a: {  	_ =	shalt  }
0x6b: {  	_ =	shalt  }
0x6c: {  	_ =	shalt  }
0x6d: {  	_ =	shalt  }
0x6e: {  	_ =	shalt  }
0x6f: {  	_ =	shalt  }
0x70: {  	_ =	shalt  }
0x71: {  	_ =	shalt  }
0x72: {  	_ =	shalt  }
0x73: {  	_ =	shalt  }
0x74: {  	_ =	shalt  }
0x75: {  	_ =	shalt  }
0x76: {  	_ =	shalt  }
0x77: {  	_ =	shalt  }
0x78: {  	_ =	shalt  }
0x79: {  	_ =	shalt  }
0x7a: {  	_ =	shalt  }
0x7b: {  	_ =	shalt  }
0x7c: {  	_ =	shalt  }
0x7d: {  	_ =	shalt  }
0x7e: {  	_ =	shalt  }
0x7f: {  	_ =	shalt  }
0x80: {  	_ =	shalt  }
0x81: {  	_ =	shalt  }
0x82: {  	_ =	shalt  }
0x83: {  	_ =	shalt  }
0x84: {  	_ =	shalt  }
0x85: {  	_ =	shalt  }
0x86: {  	_ =	shalt  }
0x87: {  	_ =	shalt  }
.Lfunc_end0:
.L_simem_size_0:
called_computation.1_lowered:
.L_overlay_start_0:
0x88: {  	s2 =	sld [smem:$0x3FD9]  }
0x89: {  	s3 =	sld [smem:$0x3FFE];
	_ =	sdelay $0x1  }
0x8a: {  	s1 =	srdreg.scid  }
0x8b: {  	s0 =	sand.u32 $0x1, s1  }
0x8c: {  	s17 =	sshll.u32 s0, $0xA;
	s2 =	sadd.s32 s3, s2  }
0x8d: {  	s2 =	sadd.s32 s2, s17  }
0x8e: {  	[smem:$0x3FC2] =	sst s2  }
0x8f: {  	_ = 	snop  }
0x90: {  	s2 =	sld [smem:$0x3FD0];
	(tm) =	ssettm $0x1  }
0x91: {  	s18 =	sld [smem:$0x3FFB];
	_ =	sdelay $0x3  }
0x92: {  	_ =	strace s18  }
0x93: {  	s3 =	sld [smem:$0x3FFC];
	_ =	sdelay $0x3  }
0x94: {  	_ =	strace s3  }
0x95: {  	s3 =	sld [smem:$0x3FFD];
	_ =	sdelay $0x3  }
0x96: {  	_ =	strace s3  }
0x97: {  	_ =	strace $0x8FFFFFFF  }
0x98: {  	s19 =	sld [smem:$0x3FDB];
	_ =	sdelay $0x1  }
0x99: {  	s4 =	simm.s32 $_scs_section_size  }
0x9a: {  	s5 =	simm.s32 $_size__tile_overlayer_lowered;
	s6 =	simm.s32 $_tile_overlayer_lowered  }
0x9b: {  	s22 =	simm.s32 $0x1BFF;
	s21 =	sshll.u32 s6, $0x1;
	s3 =	sadd.s32 s4, s19  }
0x9c: {  	s7 =	simm.s32 $0x0;
	s20 =	sshll.u32 s5, $0x1;
	s5 =	sadd.s32 s21, s3  }
0x9d: {  	[timem:s7], [sflag:s22] =	dma.local [hbm:s5], s20  }
0x9e: {  	_ =	swait.ge [sflag:s22], s20  }
0x9f: {  	s4 =	ssub.s32 $0x0, s20;
	[sflag:s22] =	ssyncset.done $0x0  }
0xa0: {  	[sflag:s22] =	ssyncadd.s32 s4;
	_ =	sdelay $0x1  }
0xa1: {  	s23 =	simm.s32 $0x1B8B  }
0xa2: {  	_ =	swait.ge [sflag:s23], $0x1  }
0xa3: {  	[sflag:s23] =	ssyncset.done $0x0  }
0xa4: {  	s25 =	simm.s32 $0x1B8E;
	s24 =	sld [smem:$0x3FFE];
	[sflag:s23] =	ssyncadd.s32 $0xFFFFFFFF  }
0xa5: {  	s26 =	simm.s32 $execute0_lowered;
	[smem:$0x3FD2] =	sst s25  }
0xa6: {  	s5 =	sshll.u32 s26, $0x1;
	_ =	strace $0x80000049;
	[dreg:$0x1] =	wrdreg $0xFFFFFFFF  }
0xa7: {  	s28 =	simm.s32 $_size_execute0_lowered;
	s3 =	sadd.s32 s3, s5;
	[dreg:$0x0] =	wrdreg $0x0  }
0xa8: {  	s5 =	sshll.u32 s28, $0x1;
	[dreg:$0x2] =	wrdreg s3  }
0xa9: {  	[dreg:$0x3] =	wrdreg s5  }
0xaa: {  	[dreg:$0x4] =	wrdreg $0xC0  }
0xab: {  	_ =	task [dreg:s7], $0x5FFFF  }
0xac: {  	[dreg:$0x1] =	wrdreg $0xFFFFFFFF  }
0xad: {  	[dreg:$0x0] =	wrdreg $0x60  }
0xae: {  	[dreg:$0x2] =	wrdreg s2  }
0xaf: {  	[dreg:$0x3] =	wrdreg s24  }
0xb0: {  	[dreg:$0x4] =	wrdreg $0xC4400  }
0xb1: {  	[dreg:$0x5] =	wrdreg $0x9  }
0xb2: {  	_ =	task.clear_ibuf [dreg:s7], $0x6FFFF;
	_ =	strace $0x90000049  }
0xb3: {  	s29 =	simm.s32 $0x9;
	_ =	strace $0x8000004B  }
0xb4: {  	_ =	swait.ge [sflag:s29], $0x1  }
0xb5: {  	[sflag:s29] =	ssyncadd.s32 $0xFFFFFFFF  }
0xb6: {  	_ =	strace $0x9000004B  }
0xb7: {  	_ =	sfence  }
0xb8: {  	s30 =	sld [smem:$0x0];
	_ =	sdelay $0x2  }
0xb9: {  	s31 =	sshll.u32 s1, $0xD;
	s1 =	sshrl.u32 s1, $0x2  }
0xba: {  	s3 =	sand.u32 $0x4000, s31;
	s1 =	sadd.s32 s1, s30  }
0xbb: {  	s0 =	sor.u32 s3, s0;
	s1 =	sshll.u32 s1, $0x11  }
0xbc: {  	s0 =	sor.u32 s1, s0  }
0xbd: {  	s0 =	sadd.s32 $0x8F2B, s0  }
0xbe: {  	[sflag:s0] =	ssyncadd.remote.s32 $0x1  }
0xbf: {  	_ =	sfence.sel $0xFFFF  }
0xc0: {  	[dreg:$0x0] =	wrdreg $0xFFFFFFFF;
	(pc) =	sbr.abs _section_cstart, $3  }
0xc1: {  	[dreg:$0x1] =	wrdreg $0xFFFFFFFF  }
0xc2: {  	_ =	task.clear_ibuf [dreg:s7], $0x2FFFF;
	_ =	strace $0x9FFFFFFF  }
0xc3: {  	(tm) =	ssettm $0x7FFFFFFF  }
tec
execute0_lowered:
.L_overlay_start_1:
0x0: {  	(tag) =	ssettag $0x1  }
0x1: {  	s0 =	rddreg [dreg:$0x0]  }
0x2: {  	s1 =	rddreg [dreg:$0x1]  }
0x3: {  	s2 =	rddreg [dreg:$0x2];
	s13 =	stileid.u32  }
0x4: {  	s5 =	simm.s32 $0x0;
	s4 =	srdreg.scid;
	p1 =	por $0x0, $0x0  }
0x5: {  	s3 =	smul.u32 $0x9C4, s13;
	[smem:$0x7FF] =	sst s5;
	s18 =	sand.u32 $0x1, s4  }
0x6: {  	s4 =	sadd.s32 $0x63800, s1;
	s20 =	sshll.u32 s13, $0x3;
	s9 =	smul.u32 $0x28000, s13  }
0x7: {  	p0 =	seq.s32 s13, $0xF;
	_ =	strace $0x8000004A;
	s7 =	smul.u32 $0x13880, s18  }
0x8: {  	s6 =	ssub.s32 $0x2, s18;
	s5 =	smul.u32 $0x9C400, s18;
	s10 =	sor.u32 $0x1, s20  }
0x9: {  	s11 =	sor.u32 $0x2, s20;
	s15 =	sor.u32 $0x5, s20;
	s21 =	smul.u32 $0x5000, s10  }
0xa: {  	s3 =	sadd.s32 s3, s1;
	s19 =	sshrl.u32 s6, $0x1;
	s23 =	smul.u32 $0x5000, s11  }
0xb: {  	s22 =	sshrl.u32 s9, $0x2;
	s9 =	sor.u32 $0x4, s20;
	s10 =	smul.u32 $0x1400, s10  }
0xc: {  	s11 =	smul.u32 $0x1400, s11;
	s1 =	ssub.s32 s6, s19;
	s8 =	sadd.s32 $0x1A00, s3  }
0xd: {  	s3 =	sadd.s32 $0xB800, s3;
	s14 =	smul.u32 $0x5000, s9;
	[dreg:$0x4] =	wrdreg s8  }
0xe: {  	s6 =	sor.u32 $0x6, s20;
	[dreg:$0x5] =	wrdreg s3;
	s8 =	sadd.s32 s0, s7  }
0xf: {  	s1 =	smax.u32 s1, $0x1;
	s24 =	sshrl.u32 s21, $0x2;
	s21 =	smul.u32 $0x5000, s15  }
0x10: {  	s0 =	sadd.s32 s22, s2;
	s25 =	sshrl.u32 s23, $0x2;
	s23 =	smul.u32 $0xA000, s13  }
0x11: {  	p5 =	slt.u32 s6, $0x7D;
	s15 =	smul.u32 $0x1400, s15;
	[dreg:$0x6] =	wrdreg s1  }
0x12: {  	p2 =	sgt.u32 @!p0 s6, $0x7C;
	[dreg:$0x7] =	wrdreg s0;
	s0 =	sor.u32 $0x3, s20  }
0x13: {  	s1 =	sadd.s32 s24, s2;
	s3 =	sadd.s32 s25, s2;
	s7 =	sshrl.u32 s14, $0x2  }
0x14: {  	s14 =	sshllo.u32 s13, $0x3;
	s25 =	sadd.s32 s5, s10;
	s10 =	sadd.s32 s10, s2  }
0x15: {  	p2 =	por p2, p0;
	s26 =	smul.u32 $0x5000, s0;
	[dreg:$0x8] =	wrdreg s1  }
0x16: {  	p1 =	por @!p0 p5, p5;
	[dreg:$0x9] =	wrdreg s3;
	s22 =	smul.u32 $0x5000, s14  }
0x17: {  	s7 =	sadd.s32 s7, s2;
	s24 =	sadd.s32 s5, s23;
	s0 =	smul.u32 $0x1400, s0  }
0x18: {  	s1 =	smul.u32 $0x1400, s9;
	p4 =	sgt.u32 @!p0 s14, $0x7C;
	s14 =	simm.s32 @p0 $0x7F  }
0x19: {  	[dreg:$0xb] =	wrdreg s7;
	p3 =	por p4, p0;
	p4 =	por !p4, p0  }
0x1a: {  	s12 =	sshrl.u32 s26, $0x2;
	s7 =	sshrl.u32 s22, $0x2;
	s26 =	sshrl.u32 s25, $0x3  }
0x1b: {  	s22 =	sadd.s32 s5, s0;
	s25 =	sadd.s32 s5, s15;
	s0 =	sadd.s32 s0, s2  }
0x1c: {  	s3 =	sadd.s32 s12, s2;
	s12 =	smul.u32 $0x5000, s6;
	s18 =	sadd.s32 s7, s2  }
0x1d: {  	s7 =	sshrl.u32 s24, $0x3;
	s20 =	sadd.s32 s4, s26;
	s9 =	sshrl.u32 s22, $0x3  }
0x1e: {  	s26 =	sshrl.u32 s25, $0x3;
	s6 =	simm.s32 @p0 $0x7E;
	s29 =	sshrl.u32 s0, $0x3  }
0x1f: {  	[dreg:$0xa] =	wrdreg s3;
	s3 =	sshrl.u32 s21, $0x2;
	s19 =	sadd.s32 s4, s7  }
0x20: {  	s22 =	sadd.s32 s4, s9;
	s0 =	smul.u32 @p1 $0x1400, s6;
	s6 =	simm.s32 $0x50  }
0x21: {  	s9 =	simm.s32 $0x1;
	s16 =	sadd.s32 s3, s2;
	s12 =	sshrl.u32 s12, $0x2  }
0x22: {  	s3 =	sadd.s32 s23, s2;
	s23 =	sadd.s32 s5, s1;
	s1 =	sadd.s32 s1, s2  }
0x23: {  	s17 =	sadd.s32 s12, s2;
	s12 =	sadd.s32 s5, s11;
	s11 =	sadd.s32 s11, s2  }
0x24: {  	s24 =	sshrl.u32 s23, $0x3;
	s25 =	sshrl.u32 s3, $0x3;
	s30 =	sshrl.u32 s1, $0x3  }
0x25: {  	s1 =	simm.s32 $0x2;
	s3 =	simm.s32 $0xB040;
	s7 =	sshrl.u32 s12, $0x3  }
0x26: {  	s23 =	sadd.s32 s4, s24;
	s24 =	sadd.s32 s4, s26;
	s26 =	sshrl.u32 s10, $0x3  }
0x27: {  	s28 =	sshrl.u32 s11, $0x3;
	s21 =	sadd.s32 s4, s7;
	s7 =	sadd.s32 s15, s2  }
0x28: {  	v0 =	vimm.f32 $0.0e+00;
	s10 =	simm.s32 $0x0;
	s31 =	sshrl.u32 @!p0 s7, $0x3;
	s7 =	simm.s32 $0x9C40  }
.LBB2_1:
0x29: {  	s11 =	simm.s32 $0x0;
	s12 =	rddreg [dreg:$0x4]  }
0x2a: {  	[tilespmem:s11], [sflag:$0x2] =	stream.linear.gather [hbm4b:s12+s11], $0x4E20, $0x38;
	[tilespmem:$0x16080] =	vst v63  }
0x2b: {  	_ =	swait.ge [sflag:s1], $0x4E20  }
0x2c: {  	[sflag:s1] =	ssyncset.done $0x0  }
0x2d: {  	s13 =	simm.s32 $0x4E20;
	s15 =	rddreg [dreg:$0x5];
	[sflag:s1] =	ssyncadd.s32 $0xFFFFB1E0  }
0x2e: {  	[tilespmem:s13], [sflag:$0x2] =	stream.linear.gather [hbm4b:s15+s11], $0x4E20, $0x38;
	[tilespmem:$0x16080] =	vst v63  }
0x2f: {  	_ =	swait.ge [sflag:s1], $0x4E20  }
0x30: {  	[sflag:s1] =	ssyncset.done $0x0  }
0x31: {  	s12 =	simm.s32 $0x100;
	s11 =	simm.s32 $0x0;
	[sflag:s1] =	ssyncadd.s32 $0xFFFFB1E0  }
.LBB2_2:
0x32: {  	p5 =	sne.s32 s12, $0x4F00;
	[tilespmem:s11+$0xB070] =	vst v0;
	s13 =	smov.u32 s12;
	s12 =	sadd.s32 $0x100, s12  }
.Ltmp0:
0x33: {  	[tilespmem:s11+$0xB060] =	vst v0;
	(pc) =	sbr.rel @p5 .LBB2_2-.Ltmp0, $3  }
0x34: {  	[tilespmem:s11+$0xB040] =	vst v0  }
0x35: {  	[tilespmem:s11+$0xB050] =	vst v0;
	_ =	sdelay $0x1  }
0x36: {  	s11 =	sshra.s32 s13, $0x2  }
0x37: {  	[tilespmem:s11+$0xB070] =	vst v0  }
0x38: {  	[tilespmem:s11+$0xB060] =	vst v0  }
0x39: {  	[tilespmem:s11+$0xB040] =	vst v0  }
0x3a: {  	[tilespmem:s11+$0xB050] =	vst v0;
	s15 =	rddreg [dreg:$0x7]  }
0x3b: {  	[spmem:s15] =	stream.linear.scatter [tilespmem:s3], [sflag:$0x2], $0x1400, $0x38;
	[tilespmem:$0x16080] =	vst v63  }
0x3c: {  	_ =	swait.ge [sflag:s1], $0x1400  }
0x3d: {  	[sflag:s1] =	ssyncset.done $0x0  }
0x3e: {  	s12 =	rddreg [dreg:$0x8];
	[sflag:s1] =	ssyncadd.s32 $0xFFFFEC00  }
0x3f: {  	[spmem:s12] =	stream.linear.scatter [tilespmem:s3], [sflag:$0x2], $0x1400, $0x38;
	[tilespmem:$0x16080] =	vst v63  }
0x40: {  	_ =	swait.ge [sflag:s1], $0x1400  }
0x41: {  	[sflag:s1] =	ssyncset.done $0x0  }
0x42: {  	s13 =	rddreg [dreg:$0x9];
	[sflag:s1] =	ssyncadd.s32 $0xFFFFEC00  }
0x43: {  	[spmem:s13] =	stream.linear.scatter [tilespmem:s3], [sflag:$0x2], $0x1400, $0x38;
	[tilespmem:$0x16080] =	vst v63  }
0x44: {  	_ =	swait.ge [sflag:s1], $0x1400  }
0x45: {  	[sflag:s1] =	ssyncset.done $0x0  }
0x46: {  	s15 =	rddreg [dreg:$0xa];
	[sflag:s1] =	ssyncadd.s32 $0xFFFFEC00  }
0x47: {  	[spmem:s15] =	stream.linear.scatter [tilespmem:s3], [sflag:$0x2], $0x1400, $0x38;
	[tilespmem:$0x16080] =	vst v63  }
0x48: {  	_ =	swait.ge [sflag:s1], $0x1400  }
0x49: {  	[sflag:s1] =	ssyncset.done $0x0  }
0x4a: {  	s12 =	rddreg [dreg:$0xb];
	[sflag:s1] =	ssyncadd.s32 $0xFFFFEC00  }
0x4b: {  	[spmem:s12] =	stream.linear.scatter [tilespmem:s3], [sflag:$0x2], $0x1400, $0x38;
	[tilespmem:$0x16080] =	vst v63  }
0x4c: {  	_ =	swait.ge [sflag:s1], $0x1400  }
0x4d: {  	[sflag:s1] =	ssyncset.done $0x0  }
0x4e: {  	s11 =	simm.s32 @!p0 $0xB040;
	[sflag:s1] =	ssyncadd.s32 $0xFFFFEC00  }
0x4f: {  	[spmem:s16] =	stream.linear.scatter @!p0 [tilespmem:s11], [sflag:$0x2], $0x1400, $0x38;
	[tilespmem:$0x16080] =	vst v63  }
0x50: {  	s11 =	simm.s32 @!p0 $0x2  }
0x51: {  	_ =	swait.ge @!p0 [sflag:s11], $0x1400  }
0x52: {  	[sflag:s11] =	ssyncset.done @!p0 $0x0  }
0x53: {  	[sflag:s11] =	ssyncadd.s32 @!p0 $0xFFFFEC00;
	s11 =	simm.s32 @!p2 $0xB040  }
0x54: {  	[spmem:s17] =	stream.linear.scatter @!p2 [tilespmem:s11], [sflag:$0x2], $0x1400, $0x38;
	[tilespmem:$0x16080] =	vst v63  }
0x55: {  	s11 =	simm.s32 @!p2 $0x2  }
0x56: {  	_ =	swait.ge @!p2 [sflag:s11], $0x1400  }
0x57: {  	[sflag:s11] =	ssyncset.done @!p2 $0x0  }
0x58: {  	[sflag:s11] =	ssyncadd.s32 @!p2 $0xFFFFEC00;
	s11 =	simm.s32 @!p3 $0xB040  }
0x59: {  	[spmem:s18] =	stream.linear.scatter @!p3 [tilespmem:s11], [sflag:$0x2], $0x1400, $0x38;
	[tilespmem:$0x16080] =	vst v63  }
0x5a: {  	s11 =	simm.s32 @!p3 $0x2  }
0x5b: {  	_ =	swait.ge @!p3 [sflag:s11], $0x1400  }
0x5c: {  	[sflag:s11] =	ssyncset.done @!p3 $0x0  }
0x5d: {  	[sflag:s11] =	ssyncadd.s32 @!p3 $0xFFFFEC00  }
0x5e: {  	s13 =	simm.s32 $0x0;
	[bflag:$0x0] =	sbarrier.arrive $0xFFFF  }
0x5f: {  	[tilespmem:s7], [sflag:$0x1] =	stream.indirect.gather [hbm4b:s8+s6], $0x40, s13, s6, $0xb8;
	[tilespmem:$0x16080] =	vst v63  }
0x60: {  	p5 =	por @!p0 $0x0, $0x0;
	p6 =	por @!p3 $0x1, $0x1;
	_ =	swait.ge [sflag:s9], $0x1400  }
0x61: {  	p6 =	por @!p4 p5, p5;
	[sflag:s9] =	ssyncset.done $0x0  }
0x62: {  	p5 =	por $0x0, $0x0;
	s15 =	simm.s32 $0x4E20;
	[sflag:s9] =	ssyncadd.s32 $0xFFFFEC00  }
0x63: {  	[spmem:s2] =	stream.indirect.scatter.add.f32 [tilespmem:s7], [sflag:$0x2], $0x40, s15, s6, $0xb8;
	[tilespmem:$0x16080] =	vst v63  }
0x64: {  	p5 =	por @!p0 p6, p6;
	_ =	swait.ge [sflag:s1], $0x1400  }
0x65: {  	s12 =	simm.s32 $0x280;
	s11 =	simm.s32 $0x140;
	[sflag:s1] =	ssyncset.done $0x0  }
.LBB2_4:
0x66: {  	s13 =	sshra.s32 s11, $0x2  }
0x67: {  	[sflag:s1] =	ssyncadd.s32 $0xFFFFEC00;
	s11 =	smov.u32 s12;
	s15 =	sadd.s32 $0x140, s12  }
0x68: {  	[tilespmem:s7], [sflag:$0x1] =	stream.indirect.gather [hbm4b:s8+s6], $0x40, s13, s6, $0xb8;
	[tilespmem:$0x16080] =	vst v63  }
0x69: {  	p6 =	sne.s32 s12, $0x13740;
	_ =	swait.ge [sflag:s9], $0x1400  }
.Ltmp1:
0x6a: {  	[sflag:s9] =	ssyncset.done $0x0;
	(pc) =	sbr.rel @p6 .LBB2_4-.Ltmp1, $4  }
0x6b: {  	s12 =	sadd.s32 $0x4E20, s13;
	[sflag:s9] =	ssyncadd.s32 $0xFFFFEC00  }
0x6c: {  	[spmem:s2] =	stream.indirect.scatter.add.f32 [tilespmem:s7], [sflag:$0x2], $0x40, s12, s6, $0xb8;
	[tilespmem:$0x16080] =	vst v63  }
0x6d: {  	_ =	swait.ge [sflag:s1], $0x1400  }
0x6e: {  	s12 =	smov.u32 s15;
	[sflag:s1] =	ssyncset.done $0x0  }
0x6f: {  	s11 =	sshra.s32 s11, $0x2;
	[sflag:s1] =	ssyncadd.s32 $0xFFFFEC00  }
0x70: {  	[tilespmem:s7], [sflag:$0x1] =	stream.indirect.gather [hbm4b:s8+s6], $0x40, s11, s6, $0xb8;
	[tilespmem:$0x16080] =	vst v63  }
0x71: {  	_ =	swait.ge [sflag:s9], $0x1400  }
0x72: {  	[sflag:s9] =	ssyncset.done $0x0  }
0x73: {  	s11 =	sadd.s32 $0x4E20, s11;
	[sflag:s9] =	ssyncadd.s32 $0xFFFFEC00  }
0x74: {  	[spmem:s2] =	stream.indirect.scatter.add.f32 [tilespmem:s7], [sflag:$0x2], $0x40, s11, s6, $0xb8;
	[tilespmem:$0x16080] =	vst v63  }
0x75: {  	_ =	swait.ge [sflag:s1], $0x1400  }
0x76: {  	s13 =	stileid.u32;
	[sflag:s1] =	ssyncset.done $0x0  }
0x77: {  	s11 =	sshll.u32 s13, $0x6;
	[sflag:s1] =	ssyncadd.s32 $0xFFFFEC00  }
0x78: {  	s11 =	sor.u32 $0x1C02, s11;
	[bflag:$0x0] =	sbarrier.arrive $0xFFFF  }
0x79: {  	[hbm:s19], [sflag:s11] =	dma.local [spmem:s25], $0x280  }
0x7a: {  	_ =	swait.ge [sflag:s1], $0x280  }
0x7b: {  	[sflag:s1] =	ssyncset.done $0x0  }
0x7c: {  	[sflag:s1] =	ssyncadd.s32 $0xFFFFFD80  }
0x7d: {  	[hbm:s20], [sflag:s11] =	dma.local [spmem:s26], $0x280  }
0x7e: {  	_ =	swait.ge [sflag:s1], $0x280  }
0x7f: {  	[sflag:s1] =	ssyncset.done $0x0  }
0x80: {  	[sflag:s1] =	ssyncadd.s32 $0xFFFFFD80  }
0x81: {  	[hbm:s21], [sflag:s11] =	dma.local [spmem:s28], $0x280  }
0x82: {  	_ =	swait.ge [sflag:s1], $0x280  }
0x83: {  	[sflag:s1] =	ssyncset.done $0x0  }
0x84: {  	[sflag:s1] =	ssyncadd.s32 $0xFFFFFD80  }
0x85: {  	[hbm:s22], [sflag:s11] =	dma.local [spmem:s29], $0x280  }
0x86: {  	_ =	swait.ge [sflag:s1], $0x280  }
0x87: {  	[sflag:s1] =	ssyncset.done $0x0  }
0x88: {  	[sflag:s1] =	ssyncadd.s32 $0xFFFFFD80  }
0x89: {  	[hbm:s23], [sflag:s11] =	dma.local [spmem:s30], $0x280  }
0x8a: {  	_ =	swait.ge [sflag:s1], $0x280  }
0x8b: {  	[sflag:s1] =	ssyncset.done $0x0  }
0x8c: {  	s12 =	simm.s32 @!p0 $0x2;
	[sflag:s1] =	ssyncadd.s32 $0xFFFFFD80  }
0x8d: {  	[hbm:s24], [sflag:s11] =	dma.local @!p0 [spmem:s31], $0x280  }
0x8e: {  	s13 =	sadd.s32 @p1 s5, s0;
	_ =	swait.ge @!p0 [sflag:s12], $0x280  }
0x8f: {  	s15 =	sadd.s32 @p1 s0, s2;
	s13 =	sshrl.u32 @p1 s13, $0x3;
	[sflag:s12] =	ssyncset.done @!p0 $0x0  }
0x90: {  	[sflag:s12] =	ssyncadd.s32 @!p0 $0xFFFFFD80;
	s12 =	sadd.s32 @p1 s4, s13;
	s13 =	sshrl.u32 @p1 s15, $0x3  }
0x91: {  	[hbm:s12], [sflag:s11] =	dma.local @p1 [spmem:s13], $0x280  }
0x92: {  	s12 =	smul.u32 @p5 $0x1400, s14  }
0x93: {  	s13 =	simm.s32 @p1 $0x2  }
0x94: {  	_ =	swait.ge @p1 [sflag:s13], $0x280;
	s15 =	sadd.s32 @p5 s5, s12  }
0x95: {  	[sflag:s13] =	ssyncset.done @p1 $0x0;
	s12 =	sadd.s32 @p5 s12, s2;
	s15 =	sshrl.u32 @p5 s15, $0x3  }
0x96: {  	[sflag:s13] =	ssyncadd.s32 @p1 $0xFFFFFD80;
	s12 =	sshrl.u32 @p5 s12, $0x3;
	s13 =	sadd.s32 @p5 s4, s15  }
0x97: {  	[hbm:s13], [sflag:s11] =	dma.local @p5 [spmem:s12], $0x280  }
0x98: {  	s11 =	simm.s32 @p5 $0x2  }
0x99: {  	_ =	swait.ge @p5 [sflag:s11], $0x280  }
0x9a: {  	s10 =	sadd.s32 $0x1, s10;
	s15 =	rddreg [dreg:$0x6]  }
0x9b: {  	p6 =	sne.s32 s10, s15  }
.Ltmp2:
0x9c: {  	_ = 	snop;
	(pc) =	sbr.rel @p6 .LBB2_1-.Ltmp2, $3  }
0x9d: {  	_ =	sdelay $0x1  }
0x9e: {  	[sflag:s11] =	ssyncset.done @p5 $0x0  }
0x9f: {  	[sflag:s11] =	ssyncadd.s32 @p5 $0xFFFFFD80  }
0xa0: {  	_ =	sfence.sel $0x180000  }
0xa1: {  	[bflag:$0x0] =	sbarrier.arrive $0xFFFF  }
0xa2: {  	_ =	strace $0x9000004A  }
0xa3: {  	s0 =	stileid.u32;
	[bflag:$0x2] =	sbarrier.arrive $0xFFFF  }
0xa4: {  	p0 =	sne.s32 s0, $0x0;
	s0 =	rddreg [dreg:$0x3]  }
0xa5: {  	s0 =	sadd.s32 @!p0 $0x100000, s0  }
0xa6: {  	[sflag:s0] =	ssyncadd.tile.s32 @!p0 $0x1;
	_ =	shalt  }
.Lfunc_end2:
_tile_overlayer_lowered:
.L_overlay_start_2:
0xa7: {  	(tag) =	ssettag $0x2  }
0xa8: {  	s0 =	rddreg [dreg:$0x0];
	s2 =	stileid.u32  }
0xa9: {  	s1 =	rddreg [dreg:$0x1];
	p0 =	sne.s32 s2, $0x0  }
0xaa: {  	s3 =	rddreg [dreg:$0x2];
	[bflag:$0x3] =	sbarrier.arrive $0xFFFF;
	s2 =	simm.s32 @!p0 $0x1C02  }
0xab: {  	[timem:s3], [sflag:s2] =	dma.local @!p0 [hbm:s0], s1  }
0xac: {  	s0 =	simm.s32 @!p0 $0x2  }
0xad: {  	_ =	swait.ge @!p0 [sflag:s0], s1  }
0xae: {  	s1 =	ssub.s32 @!p0 $0x0, s1;
	[sflag:s0] =	ssyncset.done @!p0 $0x0  }
0xaf: {  	[sflag:s0] =	ssyncadd.s32 @!p0 s1  }
0xb0: {  	[bflag:$0x3] =	sbarrier.arrive $0xFFFF  }
0xb1: {  	_ =	shalt  }

// kernel: kernel.14.cloned.1.call-start
scs
__scs_entry_jumppad:
0x0: {  	(pc) =	sbr.rel $0x88, $3  }
0x1: {  	(tag) =	ssettag $0x0;
	lr =	simm.s32 $0x1  }
0x2: {  	[smem:$0x3F9B] =	sst lr;
	_ =	strace $0xD0000000  }
0x3: {  	_ = 	snop  }
0x4: {  	_ = 	snop  }
0x5: {  	_ = 	snop  }
0x6: {  	_ = 	snop  }
0x7: {  	_ = 	snop  }
__scs_overlays_trampoline_lowered:
0x8: {  	[smem:$0x3FAA] =	sst s0  }
0x9: {  	[smem:$0x3FAB] =	sst s1  }
0xa: {  	[smem:$0x3FAC] =	sst s2  }
0xb: {  	[smem:$0x3FAD] =	sst s3  }
0xc: {  	[smem:$0x3FAE] =	sst s4  }
0xd: {  	[smem:$0x3FAF] =	sst s5  }
0xe: {  	[smem:$0x3FB0] =	sst s6  }
0xf: {  	[smem:$0x3FB1] =	sst s7  }
0x10: {  	[smem:$0x3FB2] =	sst s8  }
0x11: {  	[smem:$0x3FB3] =	sst s9;
	s0 =	simm.s32 @!p0 $0x0  }
0x12: {  	s1 =	sld [smem:$0x3F99];
	s0 =	simm.s32 @p0 $0x1  }
0x13: {  	[smem:$0x3FB4] =	sst s0;
	s0 =	simm.s32 @!p1 $0x0  }
0x14: {  	s2 =	sld [smem:$0x3F98];
	s0 =	simm.s32 @p1 $0x1  }
0x15: {  	[smem:$0x3FB5] =	sst s0;
	s0 =	simm.s32 @!p2 $0x0  }
0x16: {  	s3 =	sld [smem:$0x3FDB];
	s0 =	simm.s32 @p2 $0x1  }
0x17: {  	s4 =	simm.s32 $0x1BF5;
	[smem:$0x3FB7] =	sst s0  }
0x18: {  	s0 =	sld [smem:$0x3F9A];
	_ =	swait.ge [sflag:s4], $0x0  }
0x19: {  	s7 =	sld [smem:$0x3F9B]  }
0x1a: {  	s8 =	sadd.s32 $0xFFFFE003, lr  }
0x1b: {  	s9 =	sadd.s32 $0xFFFFFEF7, lr;
	s5 =	simm.s32 $0xFFFFFFFF;
	p2 =	slt.u32 s8, $0xFFFFF086  }
0x1c: {  	p1 =	slt.u32 s9, $0xF7A;
	s5 =	simm.s32 @!p2 $0x0  }
0x1d: {  	s5 =	simm.s32 @p1 $0x1;
	p0 =	seq.s32 s7, s2  }
0x1e: {  	s7 =	smul.u32 @!p0 $0xF7A, s2;
	p2 =	seq.s32 @!p0 s5, $0x0  }
0x1f: {  	s9 =	smul.u32 $0xF7A, s1;
	s8 =	simm.s32 @!p0 $0x1BF5;
	p2 =	por !p2, p0  }
0x20: {  	[sflag:s8] =	ssyncset.s32 @!p0 $0xFFFFF086;
	s6 =	sadd.s32 @!p0 s3, s7;
	s7 =	simm.s32 @!p0 $0x108  }
0x21: {  	s3 =	sadd.s32 s3, s9;
	s6 =	sadd.s32 @!p0 $0x88, s6;
	s7 =	simm.s32 @p2 $0x1082  }
0x22: {  	[simem:s7], [sflag:s8] =	dma.local @!p0 [hbm:s6], $0xF7A  }
0x23: {  	s9 =	sor.u32 $0xD0000000, s2;
	s6 =	simm.s32 $0x108;
	_ =	swait.ge @!p0 [sflag:s8], $0x0  }
0x24: {  	s3 =	sadd.s32 $0x88, s3;
	s6 =	simm.s32 @!p1 $0x1082;
	[sflag:s4] =	ssyncset.s32 $0xFFFFF086  }
0x25: {  	[simem:s6], [sflag:s4] =	dma.local [hbm:s3], $0xF7A  }
0x26: {  	[smem:$0x3F9B] =	sst s1;
	(tag) =	ssettag s2;
	_ =	strace s9  }
0x27: {  	s1 =	sld [smem:$0x3FAB]  }
0x28: {  	s2 =	sld [smem:$0x3FAC]  }
0x29: {  	s4 =	sld [smem:$0x3FAE]  }
0x2a: {  	p0 =	seq.s32 s5, $0x0;
	s5 =	sld [smem:$0x3FAF]  }
0x2b: {  	s6 =	sld [smem:$0x3FB0]  }
0x2c: {  	s7 =	sld [smem:$0x3FB1]  }
0x2d: {  	s3 =	simm.s32 $0x108;
	s8 =	sld [smem:$0x3FB2]  }
0x2e: {  	s3 =	simm.s32 @!p0 $0x1082;
	s9 =	sld [smem:$0x3FB3]  }
0x2f: {  	lr =	sadd.s32 s0, s3;
	s0 =	sld [smem:$0x3FAA]  }
0x30: {  	s3 =	sld [smem:$0x3FAD]  }
0x31: {  	[smem:$0x3FB6] =	sst s10  }
0x32: {  	s10 =	sld [smem:$0x3FB4];
	_ =	sdelay $0x3  }
0x33: {  	p0 =	seq.s32 s10, $0x1;
	s10 =	sld [smem:$0x3FB6];
	_ =	sdelay $0x3  }
0x34: {  	[smem:$0x3FB6] =	sst s10  }
0x35: {  	s10 =	sld [smem:$0x3FB5];
	_ =	sdelay $0x3  }
0x36: {  	p1 =	seq.s32 s10, $0x1;
	s10 =	sld [smem:$0x3FB6];
	_ =	sdelay $0x3  }
0x37: {  	[smem:$0x3FB6] =	sst s10  }
0x38: {  	s10 =	sld [smem:$0x3FB7]  }
0x39: {  	_ = 	snop;
	(pc) =	sbr.ind lr, $3  }
0x3a: {  	_ = 	snop  }
0x3b: {  	_ = 	snop  }
0x3c: {  	p2 =	seq.s32 s10, $0x1;
	s10 =	sld [smem:$0x3FB6]  }
0x3d: {  	_ =	shalt  }
0x3e: {  	_ =	shalt  }
0x3f: {  	_ =	shalt  }
0x40: {  	_ =	shalt  }
0x41: {  	_ =	shalt  }
0x42: {  	_ =	shalt  }
0x43: {  	_ =	shalt  }
0x44: {  	_ =	shalt  }
0x45: {  	_ =	shalt  }
0x46: {  	_ =	shalt  }
0x47: {  	_ =	shalt  }
0x48: {  	_ =	shalt  }
0x49: {  	_ =	shalt  }
0x4a: {  	_ =	shalt  }
0x4b: {  	_ =	shalt  }
0x4c: {  	_ =	shalt  }
0x4d: {  	_ =	shalt  }
0x4e: {  	_ =	shalt  }
0x4f: {  	_ =	shalt  }
0x50: {  	_ =	shalt  }
0x51: {  	_ =	shalt  }
0x52: {  	_ =	shalt  }
0x53: {  	_ =	shalt  }
0x54: {  	_ =	shalt  }
0x55: {  	_ =	shalt  }
0x56: {  	_ =	shalt  }
0x57: {  	_ =	shalt  }
0x58: {  	_ =	shalt  }
0x59: {  	_ =	shalt  }
0x5a: {  	_ =	shalt  }
0x5b: {  	_ =	shalt  }
0x5c: {  	_ =	shalt  }
0x5d: {  	_ =	shalt  }
0x5e: {  	_ =	shalt  }
0x5f: {  	_ =	shalt  }
0x60: {  	_ =	shalt  }
0x61: {  	_ =	shalt  }
0x62: {  	_ =	shalt  }
0x63: {  	_ =	shalt  }
0x64: {  	_ =	shalt  }
0x65: {  	_ =	shalt  }
0x66: {  	_ =	shalt  }
0x67: {  	_ =	shalt  }
0x68: {  	_ =	shalt  }
0x69: {  	_ =	shalt  }
0x6a: {  	_ =	shalt  }
0x6b: {  	_ =	shalt  }
0x6c: {  	_ =	shalt  }
0x6d: {  	_ =	shalt  }
0x6e: {  	_ =	shalt  }
0x6f: {  	_ =	shalt  }
0x70: {  	_ =	shalt  }
0x71: {  	_ =	shalt  }
0x72: {  	_ =	shalt  }
0x73: {  	_ =	shalt  }
0x74: {  	_ =	shalt  }
0x75: {  	_ =	shalt  }
0x76: {  	_ =	shalt  }
0x77: {  	_ =	shalt  }
0x78: {  	_ =	shalt  }
0x79: {  	_ =	shalt  }
0x7a: {  	_ =	shalt  }
0x7b: {  	_ =	shalt  }
0x7c: {  	_ =	shalt  }
0x7d: {  	_ =	shalt  }
0x7e: {  	_ =	shalt  }
0x7f: {  	_ =	shalt  }
0x80: {  	_ =	shalt  }
0x81: {  	_ =	shalt  }
0x82: {  	_ =	shalt  }
0x83: {  	_ =	shalt  }
0x84: {  	_ =	shalt  }
0x85: {  	_ =	shalt  }
0x86: {  	_ =	shalt  }
0x87: {  	_ =	shalt  }
.Lfunc_end0:
.L_simem_size_0:
called_computation.2_lowered:
.L_overlay_start_0:
0x88: {  	s2 =	sld [smem:$0x3FD9]  }
0x89: {  	s3 =	sld [smem:$0x3FFE];
	_ =	sdelay $0x1  }
0x8a: {  	s1 =	srdreg.scid  }
0x8b: {  	s0 =	sand.u32 $0x1, s1  }
0x8c: {  	s17 =	sshll.u32 s0, $0xA;
	s2 =	sadd.s32 s3, s2  }
0x8d: {  	s2 =	sadd.s32 s2, s17  }
0x8e: {  	[smem:$0x3FC2] =	sst s2  }
0x8f: {  	_ = 	snop  }
0x90: {  	s2 =	sld [smem:$0x3FD0];
	(tm) =	ssettm $0x1  }
0x91: {  	s18 =	sld [smem:$0x3FFB];
	_ =	sdelay $0x3  }
0x92: {  	_ =	strace s18  }
0x93: {  	s3 =	sld [smem:$0x3FFC];
	_ =	sdelay $0x3  }
0x94: {  	_ =	strace s3  }
0x95: {  	s3 =	sld [smem:$0x3FFD];
	_ =	sdelay $0x3  }
0x96: {  	_ =	strace s3  }
0x97: {  	_ =	strace $0x8FFFFFFF  }
0x98: {  	s19 =	sld [smem:$0x3FDB];
	_ =	sdelay $0x1  }
0x99: {  	s4 =	simm.s32 $_scs_section_size  }
0x9a: {  	s5 =	simm.s32 $_size__tile_overlayer_lowered;
	s6 =	simm.s32 $_tile_overlayer_lowered  }
0x9b: {  	s22 =	simm.s32 $0x1BFF;
	s21 =	sshll.u32 s6, $0x1;
	s3 =	sadd.s32 s4, s19  }
0x9c: {  	s7 =	simm.s32 $0x0;
	s20 =	sshll.u32 s5, $0x1;
	s5 =	sadd.s32 s21, s3  }
0x9d: {  	[timem:s7], [sflag:s22] =	dma.local [hbm:s5], s20  }
0x9e: {  	_ =	swait.ge [sflag:s22], s20  }
0x9f: {  	s4 =	ssub.s32 $0x0, s20;
	[sflag:s22] =	ssyncset.done $0x0  }
0xa0: {  	[sflag:s22] =	ssyncadd.s32 s4;
	_ =	sdelay $0x1  }
0xa1: {  	s23 =	simm.s32 $0x1B8B  }
0xa2: {  	_ =	swait.ge [sflag:s23], $0x1  }
0xa3: {  	[sflag:s23] =	ssyncset.done $0x0  }
0xa4: {  	s25 =	simm.s32 $0x1B8E;
	s24 =	sld [smem:$0x3FFE];
	[sflag:s23] =	ssyncadd.s32 $0xFFFFFFFF  }
0xa5: {  	s26 =	simm.s32 $execute0_lowered;
	[smem:$0x3FD2] =	sst s25  }
0xa6: {  	s5 =	sshll.u32 s26, $0x1;
	_ =	strace $0x8000004C;
	[dreg:$0x1] =	wrdreg $0xFFFFFFFF  }
0xa7: {  	s28 =	simm.s32 $_size_execute0_lowered;
	s3 =	sadd.s32 s3, s5;
	[dreg:$0x0] =	wrdreg $0x0  }
0xa8: {  	s5 =	sshll.u32 s28, $0x1;
	[dreg:$0x2] =	wrdreg s3  }
0xa9: {  	[dreg:$0x3] =	wrdreg s5  }
0xaa: {  	[dreg:$0x4] =	wrdreg $0xC0  }
0xab: {  	_ =	task [dreg:s7], $0x5FFFF  }
0xac: {  	[dreg:$0x1] =	wrdreg $0xFFFFFFFF  }
0xad: {  	[dreg:$0x0] =	wrdreg $0x60  }
0xae: {  	[dreg:$0x2] =	wrdreg s2  }
0xaf: {  	[dreg:$0x3] =	wrdreg s24  }
0xb0: {  	[dreg:$0x4] =	wrdreg $0xC4400  }
0xb1: {  	[dreg:$0x5] =	wrdreg $0x9  }
0xb2: {  	_ =	task.clear_ibuf [dreg:s7], $0x6FFFF;
	_ =	strace $0x9000004C  }
0xb3: {  	s29 =	simm.s32 $0x9;
	_ =	strace $0x8000004E  }
0xb4: {  	_ =	swait.ge [sflag:s29], $0x1  }
0xb5: {  	[sflag:s29] =	ssyncadd.s32 $0xFFFFFFFF  }
0xb6: {  	_ =	strace $0x9000004E  }
0xb7: {  	_ =	sfence  }
0xb8: {  	s30 =	sld [smem:$0x0];
	_ =	sdelay $0x2  }
0xb9: {  	s31 =	sshll.u32 s1, $0xD;
	s1 =	sshrl.u32 s1, $0x2  }
0xba: {  	s3 =	sand.u32 $0x4000, s31;
	s1 =	sadd.s32 s1, s30  }
0xbb: {  	s0 =	sor.u32 s3, s0;
	s1 =	sshll.u32 s1, $0x11  }
0xbc: {  	s0 =	sor.u32 s1, s0  }
0xbd: {  	s0 =	sadd.s32 $0x8F2B, s0  }
0xbe: {  	[sflag:s0] =	ssyncadd.remote.s32 $0x1  }
0xbf: {  	_ =	sfence.sel $0xFFFF  }
0xc0: {  	[dreg:$0x0] =	wrdreg $0xFFFFFFFF;
	(pc) =	sbr.abs _section_cstart, $3  }
0xc1: {  	[dreg:$0x1] =	wrdreg $0xFFFFFFFF  }
0xc2: {  	_ =	task.clear_ibuf [dreg:s7], $0x2FFFF;
	_ =	strace $0x9FFFFFFF  }
0xc3: {  	(tm) =	ssettm $0x7FFFFFFF  }
tec
execute0_lowered:
.L_overlay_start_1:
0x0: {  	(tag) =	ssettag $0x1  }
0x1: {  	s0 =	rddreg [dreg:$0x0]  }
0x2: {  	s1 =	rddreg [dreg:$0x1]  }
0x3: {  	s2 =	rddreg [dreg:$0x2];
	s13 =	stileid.u32  }
0x4: {  	s5 =	simm.s32 $0x0;
	s4 =	srdreg.scid;
	p1 =	por $0x0, $0x0  }
0x5: {  	s3 =	smul.u32 $0x9C4, s13;
	[smem:$0x7FF] =	sst s5;
	s18 =	sand.u32 $0x1, s4  }
0x6: {  	s4 =	sadd.s32 $0x63800, s1;
	s20 =	sshll.u32 s13, $0x3;
	s9 =	smul.u32 $0x28000, s13  }
0x7: {  	p0 =	seq.s32 s13, $0xF;
	_ =	strace $0x8000004D;
	s7 =	smul.u32 $0x13880, s18  }
0x8: {  	s6 =	ssub.s32 $0x2, s18;
	s5 =	smul.u32 $0x9C400, s18;
	s10 =	sor.u32 $0x1, s20  }
0x9: {  	s11 =	sor.u32 $0x2, s20;
	s15 =	sor.u32 $0x5, s20;
	s21 =	smul.u32 $0x5000, s10  }
0xa: {  	s3 =	sadd.s32 s3, s1;
	s19 =	sshrl.u32 s6, $0x1;
	s23 =	smul.u32 $0x5000, s11  }
0xb: {  	s22 =	sshrl.u32 s9, $0x2;
	s9 =	sor.u32 $0x4, s20;
	s10 =	smul.u32 $0x1400, s10  }
0xc: {  	s11 =	smul.u32 $0x1400, s11;
	s1 =	ssub.s32 s6, s19;
	s8 =	sadd.s32 $0x1A00, s3  }
0xd: {  	s3 =	sadd.s32 $0xB800, s3;
	s14 =	smul.u32 $0x5000, s9;
	[dreg:$0x4] =	wrdreg s8  }
0xe: {  	s6 =	sor.u32 $0x6, s20;
	[dreg:$0x5] =	wrdreg s3;
	s8 =	sadd.s32 s0, s7  }
0xf: {  	s1 =	smax.u32 s1, $0x1;
	s24 =	sshrl.u32 s21, $0x2;
	s21 =	smul.u32 $0x5000, s15  }
0x10: {  	s0 =	sadd.s32 s22, s2;
	s25 =	sshrl.u32 s23, $0x2;
	s23 =	smul.u32 $0xA000, s13  }
0x11: {  	p5 =	slt.u32 s6, $0x7D;
	s15 =	smul.u32 $0x1400, s15;
	[dreg:$0x6] =	wrdreg s1  }
0x12: {  	p2 =	sgt.u32 @!p0 s6, $0x7C;
	[dreg:$0x7] =	wrdreg s0;
	s0 =	sor.u32 $0x3, s20  }
0x13: {  	s1 =	sadd.s32 s24, s2;
	s3 =	sadd.s32 s25, s2;
	s7 =	sshrl.u32 s14, $0x2  }
0x14: {  	s14 =	sshllo.u32 s13, $0x3;
	s25 =	sadd.s32 s5, s10;
	s10 =	sadd.s32 s10, s2  }
0x15: {  	p2 =	por p2, p0;
	s26 =	smul.u32 $0x5000, s0;
	[dreg:$0x8] =	wrdreg s1  }
0x16: {  	p1 =	por @!p0 p5, p5;
	[dreg:$0x9] =	wrdreg s3;
	s22 =	smul.u32 $0x5000, s14  }
0x17: {  	s7 =	sadd.s32 s7, s2;
	s24 =	sadd.s32 s5, s23;
	s0 =	smul.u32 $0x1400, s0  }
0x18: {  	s1 =	smul.u32 $0x1400, s9;
	p4 =	sgt.u32 @!p0 s14, $0x7C;
	s14 =	simm.s32 @p0 $0x7F  }
0x19: {  	[dreg:$0xb] =	wrdreg s7;
	p3 =	por p4, p0;
	p4 =	por !p4, p0  }
0x1a: {  	s12 =	sshrl.u32 s26, $0x2;
	s7 =	sshrl.u32 s22, $0x2;
	s26 =	sshrl.u32 s25, $0x3  }
0x1b: {  	s22 =	sadd.s32 s5, s0;
	s25 =	sadd.s32 s5, s15;
	s0 =	sadd.s32 s0, s2  }
0x1c: {  	s3 =	sadd.s32 s12, s2;
	s12 =	smul.u32 $0x5000, s6;
	s18 =	sadd.s32 s7, s2  }
0x1d: {  	s7 =	sshrl.u32 s24, $0x3;
	s20 =	sadd.s32 s4, s26;
	s9 =	sshrl.u32 s22, $0x3  }
0x1e: {  	s26 =	sshrl.u32 s25, $0x3;
	s6 =	simm.s32 @p0 $0x7E;
	s29 =	sshrl.u32 s0, $0x3  }
0x1f: {  	[dreg:$0xa] =	wrdreg s3;
	s3 =	sshrl.u32 s21, $0x2;
	s19 =	sadd.s32 s4, s7  }
0x20: {  	s22 =	sadd.s32 s4, s9;
	s0 =	smul.u32 @p1 $0x1400, s6;
	s6 =	simm.s32 $0x50  }
0x21: {  	s9 =	simm.s32 $0x1;
	s16 =	sadd.s32 s3, s2;
	s12 =	sshrl.u32 s12, $0x2  }
0x22: {  	s3 =	sadd.s32 s23, s2;
	s23 =	sadd.s32 s5, s1;
	s1 =	sadd.s32 s1, s2  }
0x23: {  	s17 =	sadd.s32 s12, s2;
	s12 =	sadd.s32 s5, s11;
	s11 =	sadd.s32 s11, s2  }
0x24: {  	s24 =	sshrl.u32 s23, $0x3;
	s25 =	sshrl.u32 s3, $0x3;
	s30 =	sshrl.u32 s1, $0x3  }
0x25: {  	s1 =	simm.s32 $0x2;
	s3 =	simm.s32 $0xB040;
	s7 =	sshrl.u32 s12, $0x3  }
0x26: {  	s23 =	sadd.s32 s4, s24;
	s24 =	sadd.s32 s4, s26;
	s26 =	sshrl.u32 s10, $0x3  }
0x27: {  	s28 =	sshrl.u32 s11, $0x3;
	s21 =	sadd.s32 s4, s7;
	s7 =	sadd.s32 s15, s2  }
0x28: {  	v0 =	vimm.f32 $0.0e+00;
	s10 =	simm.s32 $0x0;
	s31 =	sshrl.u32 @!p0 s7, $0x3;
	s7 =	simm.s32 $0x9C40  }
.LBB2_1:
0x29: {  	s11 =	simm.s32 $0x0;
	s12 =	rddreg [dreg:$0x4]  }
0x2a: {  	[tilespmem:s11], [sflag:$0x2] =	stream.linear.gather [hbm4b:s12+s11], $0x4E20, $0x38;
	[tilespmem:$0x16080] =	vst v63  }
0x2b: {  	_ =	swait.ge [sflag:s1], $0x4E20  }
0x2c: {  	[sflag:s1] =	ssyncset.done $0x0  }
0x2d: {  	s13 =	simm.s32 $0x4E20;
	s15 =	rddreg [dreg:$0x5];
	[sflag:s1] =	ssyncadd.s32 $0xFFFFB1E0  }
0x2e: {  	[tilespmem:s13], [sflag:$0x2] =	stream.linear.gather [hbm4b:s15+s11], $0x4E20, $0x38;
	[tilespmem:$0x16080] =	vst v63  }
0x2f: {  	_ =	swait.ge [sflag:s1], $0x4E20  }
0x30: {  	[sflag:s1] =	ssyncset.done $0x0  }
0x31: {  	s12 =	simm.s32 $0x100;
	s11 =	simm.s32 $0x0;
	[sflag:s1] =	ssyncadd.s32 $0xFFFFB1E0  }
.LBB2_2:
0x32: {  	p5 =	sne.s32 s12, $0x4F00;
	[tilespmem:s11+$0xB070] =	vst v0;
	s13 =	smov.u32 s12;
	s12 =	sadd.s32 $0x100, s12  }
.Ltmp0:
0x33: {  	[tilespmem:s11+$0xB060] =	vst v0;
	(pc) =	sbr.rel @p5 .LBB2_2-.Ltmp0, $3  }
0x34: {  	[tilespmem:s11+$0xB040] =	vst v0  }
0x35: {  	[tilespmem:s11+$0xB050] =	vst v0;
	_ =	sdelay $0x1  }
0x36: {  	s11 =	sshra.s32 s13, $0x2  }
0x37: {  	[tilespmem:s11+$0xB070] =	vst v0  }
0x38: {  	[tilespmem:s11+$0xB060] =	vst v0  }
0x39: {  	[tilespmem:s11+$0xB040] =	vst v0  }
0x3a: {  	[tilespmem:s11+$0xB050] =	vst v0;
	s15 =	rddreg [dreg:$0x7]  }
0x3b: {  	[spmem:s15] =	stream.linear.scatter [tilespmem:s3], [sflag:$0x2], $0x1400, $0x38;
	[tilespmem:$0x16080] =	vst v63  }
0x3c: {  	_ =	swait.ge [sflag:s1], $0x1400  }
0x3d: {  	[sflag:s1] =	ssyncset.done $0x0  }
0x3e: {  	s12 =	rddreg [dreg:$0x8];
	[sflag:s1] =	ssyncadd.s32 $0xFFFFEC00  }
0x3f: {  	[spmem:s12] =	stream.linear.scatter [tilespmem:s3], [sflag:$0x2], $0x1400, $0x38;
	[tilespmem:$0x16080] =	vst v63  }
0x40: {  	_ =	swait.ge [sflag:s1], $0x1400  }
0x41: {  	[sflag:s1] =	ssyncset.done $0x0  }
0x42: {  	s13 =	rddreg [dreg:$0x9];
	[sflag:s1] =	ssyncadd.s32 $0xFFFFEC00  }
0x43: {  	[spmem:s13] =	stream.linear.scatter [tilespmem:s3], [sflag:$0x2], $0x1400, $0x38;
	[tilespmem:$0x16080] =	vst v63  }
0x44: {  	_ =	swait.ge [sflag:s1], $0x1400  }
0x45: {  	[sflag:s1] =	ssyncset.done $0x0  }
0x46: {  	s15 =	rddreg [dreg:$0xa];
	[sflag:s1] =	ssyncadd.s32 $0xFFFFEC00  }
0x47: {  	[spmem:s15] =	stream.linear.scatter [tilespmem:s3], [sflag:$0x2], $0x1400, $0x38;
	[tilespmem:$0x16080] =	vst v63  }
0x48: {  	_ =	swait.ge [sflag:s1], $0x1400  }
0x49: {  	[sflag:s1] =	ssyncset.done $0x0  }
0x4a: {  	s12 =	rddreg [dreg:$0xb];
	[sflag:s1] =	ssyncadd.s32 $0xFFFFEC00  }
0x4b: {  	[spmem:s12] =	stream.linear.scatter [tilespmem:s3], [sflag:$0x2], $0x1400, $0x38;
	[tilespmem:$0x16080] =	vst v63  }
0x4c: {  	_ =	swait.ge [sflag:s1], $0x1400  }
0x4d: {  	[sflag:s1] =	ssyncset.done $0x0  }
0x4e: {  	s11 =	simm.s32 @!p0 $0xB040;
	[sflag:s1] =	ssyncadd.s32 $0xFFFFEC00  }
0x4f: {  	[spmem:s16] =	stream.linear.scatter @!p0 [tilespmem:s11], [sflag:$0x2], $0x1400, $0x38;
	[tilespmem:$0x16080] =	vst v63  }
0x50: {  	s11 =	simm.s32 @!p0 $0x2  }
0x51: {  	_ =	swait.ge @!p0 [sflag:s11], $0x1400  }
0x52: {  	[sflag:s11] =	ssyncset.done @!p0 $0x0  }
0x53: {  	[sflag:s11] =	ssyncadd.s32 @!p0 $0xFFFFEC00;
	s11 =	simm.s32 @!p2 $0xB040  }
0x54: {  	[spmem:s17] =	stream.linear.scatter @!p2 [tilespmem:s11], [sflag:$0x2], $0x1400, $0x38;
	[tilespmem:$0x16080] =	vst v63  }
0x55: {  	s11 =	simm.s32 @!p2 $0x2  }
0x56: {  	_ =	swait.ge @!p2 [sflag:s11], $0x1400  }
0x57: {  	[sflag:s11] =	ssyncset.done @!p2 $0x0  }
0x58: {  	[sflag:s11] =	ssyncadd.s32 @!p2 $0xFFFFEC00;
	s11 =	simm.s32 @!p3 $0xB040  }
0x59: {  	[spmem:s18] =	stream.linear.scatter @!p3 [tilespmem:s11], [sflag:$0x2], $0x1400, $0x38;
	[tilespmem:$0x16080] =	vst v63  }
0x5a: {  	s11 =	simm.s32 @!p3 $0x2  }
0x5b: {  	_ =	swait.ge @!p3 [sflag:s11], $0x1400  }
0x5c: {  	[sflag:s11] =	ssyncset.done @!p3 $0x0  }
0x5d: {  	[sflag:s11] =	ssyncadd.s32 @!p3 $0xFFFFEC00  }
0x5e: {  	s13 =	simm.s32 $0x0;
	[bflag:$0x0] =	sbarrier.arrive $0xFFFF  }
0x5f: {  	[tilespmem:s7], [sflag:$0x1] =	stream.indirect.gather [hbm4b:s8+s6], $0x40, s13, s6, $0xb8;
	[tilespmem:$0x16080] =	vst v63  }
0x60: {  	p5 =	por @!p0 $0x0, $0x0;
	p6 =	por @!p3 $0x1, $0x1;
	_ =	swait.ge [sflag:s9], $0x1400  }
0x61: {  	p6 =	por @!p4 p5, p5;
	[sflag:s9] =	ssyncset.done $0x0  }
0x62: {  	p5 =	por $0x0, $0x0;
	s15 =	simm.s32 $0x4E20;
	[sflag:s9] =	ssyncadd.s32 $0xFFFFEC00  }
0x63: {  	[spmem:s2] =	stream.indirect.scatter.add.f32 [tilespmem:s7], [sflag:$0x2], $0x40, s15, s6, $0xb8;
	[tilespmem:$0x16080] =	vst v63  }
0x64: {  	p5 =	por @!p0 p6, p6;
	_ =	swait.ge [sflag:s1], $0x1400  }
0x65: {  	s12 =	simm.s32 $0x280;
	s11 =	simm.s32 $0x140;
	[sflag:s1] =	ssyncset.done $0x0  }
.LBB2_4:
0x66: {  	s13 =	sshra.s32 s11, $0x2  }
0x67: {  	[sflag:s1] =	ssyncadd.s32 $0xFFFFEC00;
	s11 =	smov.u32 s12;
	s15 =	sadd.s32 $0x140, s12  }
0x68: {  	[tilespmem:s7], [sflag:$0x1] =	stream.indirect.gather [hbm4b:s8+s6], $0x40, s13, s6, $0xb8;
	[tilespmem:$0x16080] =	vst v63  }
0x69: {  	p6 =	sne.s32 s12, $0x13740;
	_ =	swait.ge [sflag:s9], $0x1400  }
.Ltmp1:
0x6a: {  	[sflag:s9] =	ssyncset.done $0x0;
	(pc) =	sbr.rel @p6 .LBB2_4-.Ltmp1, $4  }
0x6b: {  	s12 =	sadd.s32 $0x4E20, s13;
	[sflag:s9] =	ssyncadd.s32 $0xFFFFEC00  }
0x6c: {  	[spmem:s2] =	stream.indirect.scatter.add.f32 [tilespmem:s7], [sflag:$0x2], $0x40, s12, s6, $0xb8;
	[tilespmem:$0x16080] =	vst v63  }
0x6d: {  	_ =	swait.ge [sflag:s1], $0x1400  }
0x6e: {  	s12 =	smov.u32 s15;
	[sflag:s1] =	ssyncset.done $0x0  }
0x6f: {  	s11 =	sshra.s32 s11, $0x2;
	[sflag:s1] =	ssyncadd.s32 $0xFFFFEC00  }
0x70: {  	[tilespmem:s7], [sflag:$0x1] =	stream.indirect.gather [hbm4b:s8+s6], $0x40, s11, s6, $0xb8;
	[tilespmem:$0x16080] =	vst v63  }
0x71: {  	_ =	swait.ge [sflag:s9], $0x1400  }
0x72: {  	[sflag:s9] =	ssyncset.done $0x0  }
0x73: {  	s11 =	sadd.s32 $0x4E20, s11;
	[sflag:s9] =	ssyncadd.s32 $0xFFFFEC00  }
0x74: {  	[spmem:s2] =	stream.indirect.scatter.add.f32 [tilespmem:s7], [sflag:$0x2], $0x40, s11, s6, $0xb8;
	[tilespmem:$0x16080] =	vst v63  }
0x75: {  	_ =	swait.ge [sflag:s1], $0x1400  }
0x76: {  	s13 =	stileid.u32;
	[sflag:s1] =	ssyncset.done $0x0  }
0x77: {  	s11 =	sshll.u32 s13, $0x6;
	[sflag:s1] =	ssyncadd.s32 $0xFFFFEC00  }
0x78: {  	s11 =	sor.u32 $0x1C02, s11;
	[bflag:$0x0] =	sbarrier.arrive $0xFFFF  }
0x79: {  	[hbm:s19], [sflag:s11] =	dma.local [spmem:s25], $0x280  }
0x7a: {  	_ =	swait.ge [sflag:s1], $0x280  }
0x7b: {  	[sflag:s1] =	ssyncset.done $0x0  }
0x7c: {  	[sflag:s1] =	ssyncadd.s32 $0xFFFFFD80  }
0x7d: {  	[hbm:s20], [sflag:s11] =	dma.local [spmem:s26], $0x280  }
0x7e: {  	_ =	swait.ge [sflag:s1], $0x280  }
0x7f: {  	[sflag:s1] =	ssyncset.done $0x0  }
0x80: {  	[sflag:s1] =	ssyncadd.s32 $0xFFFFFD80  }
0x81: {  	[hbm:s21], [sflag:s11] =	dma.local [spmem:s28], $0x280  }
0x82: {  	_ =	swait.ge [sflag:s1], $0x280  }
0x83: {  	[sflag:s1] =	ssyncset.done $0x0  }
0x84: {  	[sflag:s1] =	ssyncadd.s32 $0xFFFFFD80  }
0x85: {  	[hbm:s22], [sflag:s11] =	dma.local [spmem:s29], $0x280  }
0x86: {  	_ =	swait.ge [sflag:s1], $0x280  }
0x87: {  	[sflag:s1] =	ssyncset.done $0x0  }
0x88: {  	[sflag:s1] =	ssyncadd.s32 $0xFFFFFD80  }
0x89: {  	[hbm:s23], [sflag:s11] =	dma.local [spmem:s30], $0x280  }
0x8a: {  	_ =	swait.ge [sflag:s1], $0x280  }
0x8b: {  	[sflag:s1] =	ssyncset.done $0x0  }
0x8c: {  	s12 =	simm.s32 @!p0 $0x2;
	[sflag:s1] =	ssyncadd.s32 $0xFFFFFD80  }
0x8d: {  	[hbm:s24], [sflag:s11] =	dma.local @!p0 [spmem:s31], $0x280  }
0x8e: {  	s13 =	sadd.s32 @p1 s5, s0;
	_ =	swait.ge @!p0 [sflag:s12], $0x280  }
0x8f: {  	s15 =	sadd.s32 @p1 s0, s2;
	s13 =	sshrl.u32 @p1 s13, $0x3;
	[sflag:s12] =	ssyncset.done @!p0 $0x0  }
0x90: {  	[sflag:s12] =	ssyncadd.s32 @!p0 $0xFFFFFD80;
	s12 =	sadd.s32 @p1 s4, s13;
	s13 =	sshrl.u32 @p1 s15, $0x3  }
0x91: {  	[hbm:s12], [sflag:s11] =	dma.local @p1 [spmem:s13], $0x280  }
0x92: {  	s12 =	smul.u32 @p5 $0x1400, s14  }
0x93: {  	s13 =	simm.s32 @p1 $0x2  }
0x94: {  	_ =	swait.ge @p1 [sflag:s13], $0x280;
	s15 =	sadd.s32 @p5 s5, s12  }
0x95: {  	[sflag:s13] =	ssyncset.done @p1 $0x0;
	s12 =	sadd.s32 @p5 s12, s2;
	s15 =	sshrl.u32 @p5 s15, $0x3  }
0x96: {  	[sflag:s13] =	ssyncadd.s32 @p1 $0xFFFFFD80;
	s12 =	sshrl.u32 @p5 s12, $0x3;
	s13 =	sadd.s32 @p5 s4, s15  }
0x97: {  	[hbm:s13], [sflag:s11] =	dma.local @p5 [spmem:s12], $0x280  }
0x98: {  	s11 =	simm.s32 @p5 $0x2  }
0x99: {  	_ =	swait.ge @p5 [sflag:s11], $0x280  }
0x9a: {  	s10 =	sadd.s32 $0x1, s10;
	s15 =	rddreg [dreg:$0x6]  }
0x9b: {  	p6 =	sne.s32 s10, s15  }
.Ltmp2:
0x9c: {  	_ = 	snop;
	(pc) =	sbr.rel @p6 .LBB2_1-.Ltmp2, $3  }
0x9d: {  	_ =	sdelay $0x1  }
0x9e: {  	[sflag:s11] =	ssyncset.done @p5 $0x0  }
0x9f: {  	[sflag:s11] =	ssyncadd.s32 @p5 $0xFFFFFD80  }
0xa0: {  	_ =	sfence.sel $0x180000  }
0xa1: {  	[bflag:$0x0] =	sbarrier.arrive $0xFFFF  }
0xa2: {  	_ =	strace $0x9000004D  }
0xa3: {  	s0 =	stileid.u32;
	[bflag:$0x2] =	sbarrier.arrive $0xFFFF  }
0xa4: {  	p0 =	sne.s32 s0, $0x0;
	s0 =	rddreg [dreg:$0x3]  }
0xa5: {  	s0 =	sadd.s32 @!p0 $0x100000, s0  }
0xa6: {  	[sflag:s0] =	ssyncadd.tile.s32 @!p0 $0x1;
	_ =	shalt  }
.Lfunc_end2:
_tile_overlayer_lowered:
.L_overlay_start_2:
0xa7: {  	(tag) =	ssettag $0x2  }
0xa8: {  	s0 =	rddreg [dreg:$0x0];
	s2 =	stileid.u32  }
0xa9: {  	s1 =	rddreg [dreg:$0x1];
	p0 =	sne.s32 s2, $0x0  }
0xaa: {  	s3 =	rddreg [dreg:$0x2];
	[bflag:$0x3] =	sbarrier.arrive $0xFFFF;
	s2 =	simm.s32 @!p0 $0x1C02  }
0xab: {  	[timem:s3], [sflag:s2] =	dma.local @!p0 [hbm:s0], s1  }
0xac: {  	s0 =	simm.s32 @!p0 $0x2  }
0xad: {  	_ =	swait.ge @!p0 [sflag:s0], s1  }
0xae: {  	s1 =	ssub.s32 @!p0 $0x0, s1;
	[sflag:s0] =	ssyncset.done @!p0 $0x0  }
0xaf: {  	[sflag:s0] =	ssyncadd.s32 @!p0 s1  }
0xb0: {  	[bflag:$0x3] =	sbarrier.arrive $0xFFFF  }
0xb1: {  	_ =	shalt  }

// kernel: kernel.8.cloned.1.call-start
scs
__scs_entry_jumppad:
0x0: {  	(pc) =	sbr.rel $0x88, $3  }
0x1: {  	(tag) =	ssettag $0x0;
	lr =	simm.s32 $0x1  }
0x2: {  	[smem:$0x3F9B] =	sst lr;
	_ =	strace $0xD0000000  }
0x3: {  	_ = 	snop  }
0x4: {  	_ = 	snop  }
0x5: {  	_ = 	snop  }
0x6: {  	_ = 	snop  }
0x7: {  	_ = 	snop  }
__scs_overlays_trampoline_lowered:
0x8: {  	[smem:$0x3FAA] =	sst s0  }
0x9: {  	[smem:$0x3FAB] =	sst s1  }
0xa: {  	[smem:$0x3FAC] =	sst s2  }
0xb: {  	[smem:$0x3FAD] =	sst s3  }
0xc: {  	[smem:$0x3FAE] =	sst s4  }
0xd: {  	[smem:$0x3FAF] =	sst s5  }
0xe: {  	[smem:$0x3FB0] =	sst s6  }
0xf: {  	[smem:$0x3FB1] =	sst s7  }
0x10: {  	[smem:$0x3FB2] =	sst s8  }
0x11: {  	[smem:$0x3FB3] =	sst s9;
	s0 =	simm.s32 @!p0 $0x0  }
0x12: {  	s1 =	sld [smem:$0x3F99];
	s0 =	simm.s32 @p0 $0x1  }
0x13: {  	[smem:$0x3FB4] =	sst s0;
	s0 =	simm.s32 @!p1 $0x0  }
0x14: {  	s2 =	sld [smem:$0x3F98];
	s0 =	simm.s32 @p1 $0x1  }
0x15: {  	[smem:$0x3FB5] =	sst s0;
	s0 =	simm.s32 @!p2 $0x0  }
0x16: {  	s3 =	sld [smem:$0x3FDB];
	s0 =	simm.s32 @p2 $0x1  }
0x17: {  	s4 =	simm.s32 $0x1BF5;
	[smem:$0x3FB7] =	sst s0  }
0x18: {  	s0 =	sld [smem:$0x3F9A];
	_ =	swait.ge [sflag:s4], $0x0  }
0x19: {  	s7 =	sld [smem:$0x3F9B]  }
0x1a: {  	s8 =	sadd.s32 $0xFFFFE003, lr  }
0x1b: {  	s9 =	sadd.s32 $0xFFFFFEF7, lr;
	s5 =	simm.s32 $0xFFFFFFFF;
	p2 =	slt.u32 s8, $0xFFFFF086  }
0x1c: {  	p1 =	slt.u32 s9, $0xF7A;
	s5 =	simm.s32 @!p2 $0x0  }
0x1d: {  	s5 =	simm.s32 @p1 $0x1;
	p0 =	seq.s32 s7, s2  }
0x1e: {  	s7 =	smul.u32 @!p0 $0xF7A, s2;
	p2 =	seq.s32 @!p0 s5, $0x0  }
0x1f: {  	s9 =	smul.u32 $0xF7A, s1;
	s8 =	simm.s32 @!p0 $0x1BF5;
	p2 =	por !p2, p0  }
0x20: {  	[sflag:s8] =	ssyncset.s32 @!p0 $0xFFFFF086;
	s6 =	sadd.s32 @!p0 s3, s7;
	s7 =	simm.s32 @!p0 $0x108  }
0x21: {  	s3 =	sadd.s32 s3, s9;
	s6 =	sadd.s32 @!p0 $0x88, s6;
	s7 =	simm.s32 @p2 $0x1082  }
0x22: {  	[simem:s7], [sflag:s8] =	dma.local @!p0 [hbm:s6], $0xF7A  }
0x23: {  	s9 =	sor.u32 $0xD0000000, s2;
	s6 =	simm.s32 $0x108;
	_ =	swait.ge @!p0 [sflag:s8], $0x0  }
0x24: {  	s3 =	sadd.s32 $0x88, s3;
	s6 =	simm.s32 @!p1 $0x1082;
	[sflag:s4] =	ssyncset.s32 $0xFFFFF086  }
0x25: {  	[simem:s6], [sflag:s4] =	dma.local [hbm:s3], $0xF7A  }
0x26: {  	[smem:$0x3F9B] =	sst s1;
	(tag) =	ssettag s2;
	_ =	strace s9  }
0x27: {  	s1 =	sld [smem:$0x3FAB]  }
0x28: {  	s2 =	sld [smem:$0x3FAC]  }
0x29: {  	s4 =	sld [smem:$0x3FAE]  }
0x2a: {  	p0 =	seq.s32 s5, $0x0;
	s5 =	sld [smem:$0x3FAF]  }
0x2b: {  	s6 =	sld [smem:$0x3FB0]  }
0x2c: {  	s7 =	sld [smem:$0x3FB1]  }
0x2d: {  	s3 =	simm.s32 $0x108;
	s8 =	sld [smem:$0x3FB2]  }
0x2e: {  	s3 =	simm.s32 @!p0 $0x1082;
	s9 =	sld [smem:$0x3FB3]  }
0x2f: {  	lr =	sadd.s32 s0, s3;
	s0 =	sld [smem:$0x3FAA]  }
0x30: {  	s3 =	sld [smem:$0x3FAD]  }
0x31: {  	[smem:$0x3FB6] =	sst s10  }
0x32: {  	s10 =	sld [smem:$0x3FB4];
	_ =	sdelay $0x3  }
0x33: {  	p0 =	seq.s32 s10, $0x1;
	s10 =	sld [smem:$0x3FB6];
	_ =	sdelay $0x3  }
0x34: {  	[smem:$0x3FB6] =	sst s10  }
0x35: {  	s10 =	sld [smem:$0x3FB5];
	_ =	sdelay $0x3  }
0x36: {  	p1 =	seq.s32 s10, $0x1;
	s10 =	sld [smem:$0x3FB6];
	_ =	sdelay $0x3  }
0x37: {  	[smem:$0x3FB6] =	sst s10  }
0x38: {  	s10 =	sld [smem:$0x3FB7]  }
0x39: {  	_ = 	snop;
	(pc) =	sbr.ind lr, $3  }
0x3a: {  	_ = 	snop  }
0x3b: {  	_ = 	snop  }
0x3c: {  	p2 =	seq.s32 s10, $0x1;
	s10 =	sld [smem:$0x3FB6]  }
0x3d: {  	_ =	shalt  }
0x3e: {  	_ =	shalt  }
0x3f: {  	_ =	shalt  }
0x40: {  	_ =	shalt  }
0x41: {  	_ =	shalt  }
0x42: {  	_ =	shalt  }
0x43: {  	_ =	shalt  }
0x44: {  	_ =	shalt  }
0x45: {  	_ =	shalt  }
0x46: {  	_ =	shalt  }
0x47: {  	_ =	shalt  }
0x48: {  	_ =	shalt  }
0x49: {  	_ =	shalt  }
0x4a: {  	_ =	shalt  }
0x4b: {  	_ =	shalt  }
0x4c: {  	_ =	shalt  }
0x4d: {  	_ =	shalt  }
0x4e: {  	_ =	shalt  }
0x4f: {  	_ =	shalt  }
0x50: {  	_ =	shalt  }
0x51: {  	_ =	shalt  }
0x52: {  	_ =	shalt  }
0x53: {  	_ =	shalt  }
0x54: {  	_ =	shalt  }
0x55: {  	_ =	shalt  }
0x56: {  	_ =	shalt  }
0x57: {  	_ =	shalt  }
0x58: {  	_ =	shalt  }
0x59: {  	_ =	shalt  }
0x5a: {  	_ =	shalt  }
0x5b: {  	_ =	shalt  }
0x5c: {  	_ =	shalt  }
0x5d: {  	_ =	shalt  }
0x5e: {  	_ =	shalt  }
0x5f: {  	_ =	shalt  }
0x60: {  	_ =	shalt  }
0x61: {  	_ =	shalt  }
0x62: {  	_ =	shalt  }
0x63: {  	_ =	shalt  }
0x64: {  	_ =	shalt  }
0x65: {  	_ =	shalt  }
0x66: {  	_ =	shalt  }
0x67: {  	_ =	shalt  }
0x68: {  	_ =	shalt  }
0x69: {  	_ =	shalt  }
0x6a: {  	_ =	shalt  }
0x6b: {  	_ =	shalt  }
0x6c: {  	_ =	shalt  }
0x6d: {  	_ =	shalt  }
0x6e: {  	_ =	shalt  }
0x6f: {  	_ =	shalt  }
0x70: {  	_ =	shalt  }
0x71: {  	_ =	shalt  }
0x72: {  	_ =	shalt  }
0x73: {  	_ =	shalt  }
0x74: {  	_ =	shalt  }
0x75: {  	_ =	shalt  }
0x76: {  	_ =	shalt  }
0x77: {  	_ =	shalt  }
0x78: {  	_ =	shalt  }
0x79: {  	_ =	shalt  }
0x7a: {  	_ =	shalt  }
0x7b: {  	_ =	shalt  }
0x7c: {  	_ =	shalt  }
0x7d: {  	_ =	shalt  }
0x7e: {  	_ =	shalt  }
0x7f: {  	_ =	shalt  }
0x80: {  	_ =	shalt  }
0x81: {  	_ =	shalt  }
0x82: {  	_ =	shalt  }
0x83: {  	_ =	shalt  }
0x84: {  	_ =	shalt  }
0x85: {  	_ =	shalt  }
0x86: {  	_ =	shalt  }
0x87: {  	_ =	shalt  }
.Lfunc_end0:
.L_simem_size_0:
called_computation_lowered:
.L_overlay_start_0:
0x88: {  	s2 =	sld [smem:$0x3FD9]  }
0x89: {  	s3 =	sld [smem:$0x3FFE];
	_ =	sdelay $0x1  }
0x8a: {  	s1 =	srdreg.scid  }
0x8b: {  	s0 =	sand.u32 $0x1, s1  }
0x8c: {  	s17 =	sshll.u32 s0, $0xA;
	s2 =	sadd.s32 s3, s2  }
0x8d: {  	s2 =	sadd.s32 s2, s17  }
0x8e: {  	[smem:$0x3FC2] =	sst s2  }
0x8f: {  	_ = 	snop  }
0x90: {  	s2 =	sld [smem:$0x3FD0];
	(tm) =	ssettm $0x1  }
0x91: {  	s18 =	sld [smem:$0x3FFB];
	_ =	sdelay $0x3  }
0x92: {  	_ =	strace s18  }
0x93: {  	s3 =	sld [smem:$0x3FFC];
	_ =	sdelay $0x3  }
0x94: {  	_ =	strace s3  }
0x95: {  	s3 =	sld [smem:$0x3FFD];
	_ =	sdelay $0x3  }
0x96: {  	_ =	strace s3  }
0x97: {  	_ =	strace $0x8FFFFFFF  }
0x98: {  	s19 =	sld [smem:$0x3FDB];
	_ =	sdelay $0x1  }
0x99: {  	s4 =	simm.s32 $_scs_section_size  }
0x9a: {  	s5 =	simm.s32 $_size__tile_overlayer_lowered;
	s6 =	simm.s32 $_tile_overlayer_lowered  }
0x9b: {  	s22 =	simm.s32 $0x1BFF;
	s21 =	sshll.u32 s6, $0x1;
	s3 =	sadd.s32 s4, s19  }
0x9c: {  	s7 =	simm.s32 $0x0;
	s20 =	sshll.u32 s5, $0x1;
	s5 =	sadd.s32 s21, s3  }
0x9d: {  	[timem:s7], [sflag:s22] =	dma.local [hbm:s5], s20  }
0x9e: {  	_ =	swait.ge [sflag:s22], s20  }
0x9f: {  	s4 =	ssub.s32 $0x0, s20;
	[sflag:s22] =	ssyncset.done $0x0  }
0xa0: {  	[sflag:s22] =	ssyncadd.s32 s4;
	_ =	sdelay $0x1  }
0xa1: {  	s23 =	simm.s32 $0x1B8B  }
0xa2: {  	_ =	swait.ge [sflag:s23], $0x1  }
0xa3: {  	[sflag:s23] =	ssyncset.done $0x0  }
0xa4: {  	s25 =	simm.s32 $0x1B8E;
	s24 =	sld [smem:$0x3FFE];
	[sflag:s23] =	ssyncadd.s32 $0xFFFFFFFF  }
0xa5: {  	s26 =	simm.s32 $execute0_lowered;
	[smem:$0x3FD2] =	sst s25  }
0xa6: {  	s5 =	sshll.u32 s26, $0x1;
	_ =	strace $0x80000046;
	[dreg:$0x1] =	wrdreg $0xFFFFFFFF  }
0xa7: {  	s28 =	simm.s32 $_size_execute0_lowered;
	s3 =	sadd.s32 s3, s5;
	[dreg:$0x0] =	wrdreg $0x0  }
0xa8: {  	s5 =	sshll.u32 s28, $0x1;
	[dreg:$0x2] =	wrdreg s3  }
0xa9: {  	[dreg:$0x3] =	wrdreg s5  }
0xaa: {  	[dreg:$0x4] =	wrdreg $0xC0  }
0xab: {  	_ =	task [dreg:s7], $0x5FFFF  }
0xac: {  	[dreg:$0x1] =	wrdreg $0xFFFFFFFF  }
0xad: {  	[dreg:$0x0] =	wrdreg $0x60  }
0xae: {  	[dreg:$0x2] =	wrdreg s2  }
0xaf: {  	[dreg:$0x3] =	wrdreg s24  }
0xb0: {  	[dreg:$0x4] =	wrdreg $0x9  }
0xb1: {  	_ =	task.clear_ibuf [dreg:s7], $0x5FFFF;
	_ =	strace $0x90000046  }
0xb2: {  	s29 =	simm.s32 $0x9;
	_ =	strace $0x80000048  }
0xb3: {  	_ =	swait.ge [sflag:s29], $0x1  }
0xb4: {  	[sflag:s29] =	ssyncadd.s32 $0xFFFFFFFF  }
0xb5: {  	_ =	strace $0x90000048  }
0xb6: {  	_ =	sfence  }
0xb7: {  	s30 =	sld [smem:$0x0];
	_ =	sdelay $0x2  }
0xb8: {  	s31 =	sshll.u32 s1, $0xD;
	s1 =	sshrl.u32 s1, $0x2  }
0xb9: {  	s3 =	sand.u32 $0x4000, s31;
	s1 =	sadd.s32 s1, s30  }
0xba: {  	s0 =	sor.u32 s3, s0;
	s1 =	sshll.u32 s1, $0x11  }
0xbb: {  	s0 =	sor.u32 s1, s0  }
0xbc: {  	s0 =	sadd.s32 $0x8F2B, s0  }
0xbd: {  	[sflag:s0] =	ssyncadd.remote.s32 $0x1  }
0xbe: {  	_ =	sfence.sel $0xFFFF  }
0xbf: {  	[dreg:$0x0] =	wrdreg $0xFFFFFFFF;
	(pc) =	sbr.abs _section_cstart, $3  }
0xc0: {  	[dreg:$0x1] =	wrdreg $0xFFFFFFFF  }
0xc1: {  	_ =	task.clear_ibuf [dreg:s7], $0x2FFFF;
	_ =	strace $0x9FFFFFFF  }
0xc2: {  	(tm) =	ssettm $0x7FFFFFFF  }
0xc3: {  	_ =	shalt  }
tec
execute0_lowered:
.L_overlay_start_1:
0x0: {  	(tag) =	ssettag $0x1  }
0x1: {  	s0 =	srdreg.scid  }
0x2: {  	s3 =	sand.u32 $0x1, s0  }
0x3: {  	s4 =	rddreg [dreg:$0x0];
	s0 =	stileid.u32;
	s1 =	sshll.u32 s3, $0x4  }
0x4: {  	s6 =	rddreg [dreg:$0x1];
	s2 =	simm.s32 $0x0;
	s1 =	sor.u32 s0, s1  }
0x5: {  	s8 =	simm.s32 $0x1;
	s9 =	simm.s32 $0x2780;
	s1 =	sshrl.u32 s1, $0x3  }
0x6: {  	s10 =	simm.s32 $0x0;
	s30 =	sshll.u32 s0, $0x7;
	s5 =	smul.u32 $0x13C00, s1  }
0x7: {  	[smem:$0x7FF] =	sst s2;
	s3 =	ssub.s32 $0x2, s3;
	s7 =	sand.u32 $0x380, s30  }
0x8: {  	s31 =	sshrl.u32 s3, $0x1;
	s1 =	rddreg [dreg:$0x2];
	s5 =	sor.u32 s7, s5  }
0x9: {  	_ =	strace $0x80000047;
	s7 =	ssub.s32 s3, s31;
	s5 =	sshrl.u32 s5, $0x3  }
0xa: {  	s6 =	sadd.s32 s5, s6;
	s3 =	sadd.s32 s4, s5;
	s5 =	smax.u32 s7, $0x1  }
0xb: {  	v0 =	vimm.f32 $0.0e+00;
	v1 =	vimm.f32 $1.000000000e+00;
	s7 =	simm.s32 $0x400;
	s4 =	sadd.s32 $0x15600, s6;
	s6 =	simm.s32 $0x80  }
.LBB2_1:
0xc: {  	[tilespmem:s2], [sflag:$0x1] =	stream.strided.gather [hbm4b:s3+s6], $0x2780, s7, s6, $0x38;
	[tilespmem:$0x4F00] =	vst v63  }
0xd: {  	_ =	swait.ge [sflag:s8], $0x2780  }
0xe: {  	[sflag:s8] =	ssyncset.done $0x0  }
0xf: {  	s11 =	simm.s32 $0x0;
	[sflag:s8] =	ssyncadd.s32 $0xFFFFD880  }
.LBB2_2:
0x10: {  	p0 =	sne.s32 s11, $0x9C00  }
.Ltmp0:
0x11: {  	_ = 	snop;
	(pc) =	sbr.rel @p0 .LBB2_2-.Ltmp0, $3  }
0x12: {  	_ =	sdelay $0x1  }
0x13: {  	s12 =	sshra.s32 s11, $0x2  }
0x14: {  	s11 =	sadd.s32 $0x40, s11;
	[tilespmem:s12+$0x2780] =	vst v0  }
0x15: {  	s12 =	simm.s32 $0x0;
	s11 =	simm.s32 $0x40  }
.LBB2_4:
0x16: {  	p0 =	sne.s32 s11, $0x9C00;
	v2 =	vld [tilespmem:s12+$0x0];
	_ =	sdelay $0x3  }
.Ltmp1:
0x17: {  	(pc) =	sbr.rel @p0 .LBB2_4-.Ltmp1, $2  }
0x18: {  	_ =	sdelay $0x2  }
0x19: {  	s12 =	sshra.s32 s11, $0x2;
	s11 =	sadd.s32 $0x40, s11;
	[tilespmem:v2+s9+$0x0] =	vst.idx.add.f32.msk $0xffff, v1  }
0x1a: {  	v2 =	vld [tilespmem:s12+$0x0];
	_ =	sdelay $0x5  }
0x1b: {  	s10 =	sadd.s32 $0x1, s10  }
0x1c: {  	p0 =	sne.s32 s10, s5  }
.Ltmp2:
0x1d: {  	[tilespmem:v2+s9+$0x0] =	vst.idx.add.f32.msk $0xffff, v1;
	(pc) =	sbr.rel @p0 .LBB2_1-.Ltmp2, $4  }
0x1e: {  	[hbm4b:s4+s6] =	stream.strided.scatter [tilespmem:s9], [sflag:$0x1], $0x2780, s7, s6, $0x38;
	[tilespmem:$0x4F00] =	vst v63  }
0x1f: {  	_ =	swait.ge [sflag:s8], $0x2780  }
0x20: {  	[sflag:s8] =	ssyncset.done $0x0  }
0x21: {  	[sflag:s8] =	ssyncadd.s32 $0xFFFFD880  }
0x22: {  	_ =	sfence.sel $0x180000  }
0x23: {  	[bflag:$0x0] =	sbarrier.arrive $0xFFFF  }
0x24: {  	p0 =	sne.s32 s0, $0x0;
	_ =	strace $0x90000047  }
0x25: {  	s0 =	sadd.s32 @!p0 $0x100000, s1;
	[bflag:$0x2] =	sbarrier.arrive $0xFFFF  }
0x26: {  	[sflag:s0] =	ssyncadd.tile.s32 @!p0 $0x1;
	_ =	shalt  }
.Lfunc_end2:
_tile_overlayer_lowered:
.L_overlay_start_2:
0x27: {  	(tag) =	ssettag $0x2  }
0x28: {  	s0 =	rddreg [dreg:$0x0];
	s2 =	stileid.u32  }
0x29: {  	s1 =	rddreg [dreg:$0x1];
	p0 =	sne.s32 s2, $0x0  }
0x2a: {  	s3 =	rddreg [dreg:$0x2];
	[bflag:$0x3] =	sbarrier.arrive $0xFFFF;
	s2 =	simm.s32 @!p0 $0x1C01  }
0x2b: {  	[timem:s3], [sflag:s2] =	dma.local @!p0 [hbm:s0], s1  }
0x2c: {  	s0 =	simm.s32 @!p0 $0x1  }
0x2d: {  	_ =	swait.ge @!p0 [sflag:s0], s1  }
0x2e: {  	s1 =	ssub.s32 @!p0 $0x0, s1;
	[sflag:s0] =	ssyncset.done @!p0 $0x0  }
0x2f: {  	[sflag:s0] =	ssyncadd.s32 @!p0 s1  }
0x30: {  	[bflag:$0x3] =	sbarrier.arrive $0xFFFF  }
0x31: {  	_ =	shalt  }

</sc_bundles>
